<compile_context>
chip_gen: v7x
topology: tpu7x:2x2x1
jax: 0.10.2.dev20260603
libtpu: 0.0.44.dev20260713+nightly
codegen_flags: <defaults>
</compile_context>

<pallas_src>
import functools

import jax
import jax.numpy as jnp
from jax.experimental import pallas as pl
from jax.experimental.pallas import tpu as pltpu
from jax.experimental.pallas import tpu_sc as plsc

N = 16384
K = 8192
D = 64
TM = 1024
KB = 2048
NB = N // TM
GW = 128

_EPS = 1e-12


def _argmin_kernel(x_ref, c_ref, a2_ref, b2_ref, idx_ref):
    xb = x_ref[...].astype(jnp.bfloat16)
    a2 = a2_ref[...]
    best = jnp.full((TM, 1), jnp.inf, jnp.float32)
    bidx = jnp.zeros((TM, 1), jnp.int32)
    for kc in range(K // KB):
        cb = c_ref[pl.ds(kc * KB, KB), :].astype(jnp.bfloat16)
        b2 = b2_ref[:, pl.ds(kc * KB, KB)]
        dots = jax.lax.dot_general(
            xb, cb, (((1,), (1,)), ((), ())),
            preferred_element_type=jnp.float32)
        d2 = (a2 + b2) - 2.0 * dots
        d2 = jnp.maximum(d2, 0.0)
        dist = jnp.sqrt(d2)
        m = jnp.min(dist, axis=1, keepdims=True)
        lane = jax.lax.broadcasted_iota(jnp.int32, (TM, KB), 1) + kc * KB
        cand = jnp.where(dist == m, lane, jnp.int32(2**31 - 1))
        arg = jnp.min(cand, axis=1, keepdims=True)
        take = m < best
        bidx = jnp.where(take, arg, bidx)
        best = jnp.where(take, m, best)
    idx_ref[0, 0, :] = bidx[:, 0]


def _compute_indices(xn, cn, a2, b2):
    idx3 = pl.pallas_call(
        _argmin_kernel,
        grid=(NB,),
        in_specs=[
            pl.BlockSpec((TM, D), lambda i: (i, 0)),
            pl.BlockSpec((K, D), lambda i: (0, 0)),
            pl.BlockSpec((TM, 1), lambda i: (i, 0)),
            pl.BlockSpec((1, K), lambda i: (0, 0)),
        ],
        out_specs=pl.BlockSpec((1, 1, TM), lambda i: (i, 0, 0)),
        out_shape=jax.ShapeDtypeStruct((NB, 1, TM), jnp.int32),
    )(xn, cn, a2, b2)
    return idx3.reshape(N)


def _sc_gather(cluster_centers, indices):
    table = jnp.pad(cluster_centers, ((0, 0), (0, 128 - D)))
    ind2 = indices.reshape(1, N)
    mesh = plsc.VectorSubcoreMesh(core_axis_name="core",
                                  subcore_axis_name="subcore")

    @functools.partial(
        pl.kernel,
        out_type=jax.ShapeDtypeStruct((N, 128), cluster_centers.dtype),
        mesh=mesh)
    def gather_kernel(x_hbm, i_hbm, o_hbm):
        def body(i_vmem, o_vmem):
            pltpu.sync_copy(x_hbm.at[i_vmem.at[0]], o_vmem)

        pltpu.emit_pipeline(
            body,
            grid=(N // GW,),
            in_specs=[pl.BlockSpec((1, GW), index_map=lambda i: (0, i))],
            out_specs=[pl.BlockSpec((GW, 128), index_map=lambda i: (i, 0))],
            core_axis_name="subcore",
            dimension_semantics=(pltpu.PARALLEL,),
        )(i_hbm, o_hbm)

    return gather_kernel(table, ind2)[:, :D]


def kernel(context_repr, cluster_centers):
    xnorm = jnp.linalg.norm(context_repr, ord=2, axis=1, keepdims=True)
    xn = context_repr / jnp.maximum(xnorm, _EPS)
    cnorm = jnp.linalg.norm(cluster_centers, ord=2, axis=1, keepdims=True)
    cn = cluster_centers / jnp.maximum(cnorm, _EPS)
    a2 = jnp.sum(xn * xn, axis=1, keepdims=True)
    b2 = jnp.sum(cn * cn, axis=1)[None, :]
    indices = _compute_indices(xn, cn, a2, b2)
    return _sc_gather(cluster_centers, indices)

# --- scband reference (transcript-rebuilt; emitter-appended) ---
"""Pipeline reference for scband-context-clustering-module-3083786519219 (READ-ONLY COPY).

The authoritative reference and input builder live on the scoring server;
editing this copy changes nothing except your own understanding.
"""

import jax, jax.numpy as jnp
import numpy as np


def _normalize(x, axis=1, eps=1e-12):
    # matches torch.nn.functional.normalize(p=2)
    n = jnp.linalg.norm(x, ord=2, axis=axis, keepdims=True)
    return x / jnp.maximum(n, eps)


def _cdist(a, b):
    # pairwise euclidean distance, matches torch.cdist(p=2)
    a2 = jnp.sum(a * a, axis=1, keepdims=True)
    b2 = jnp.sum(b * b, axis=1)[None, :]
    d2 = a2 + b2 - 2.0 * (a @ b.T)
    return jnp.sqrt(jnp.maximum(d2, 0.0))


def setup_inputs(seed: int = 0) -> dict:
    key = jax.random.key(seed)
    k1, k2 = jax.random.split(key)
    context_repr = jax.random.normal(k1, (16384, 64), dtype=jnp.float32)
    # learned parameter: cluster_centers, init normal(0, 0.02) per module init
    cluster_centers = jax.random.normal(k2, (8192, 64), dtype=jnp.float32) * 0.02
    return {"context_repr": context_repr, "cluster_centers": cluster_centers}


def reference(context_repr, cluster_centers):
    num_clusters = cluster_centers.shape[0]
    context_norm = _normalize(context_repr, axis=1)
    centers_norm = _normalize(cluster_centers, axis=1)
    distances = _cdist(context_norm, centers_norm)
    hard_assignments = jnp.argmin(distances, axis=-1)
    # computed (but unused) in the original forward as well
    cluster_assignment_one_hot = jax.nn.one_hot(hard_assignments, num_clusters, dtype=jnp.float32)
    cluster_embedding = jnp.take(cluster_centers, hard_assignments, axis=0)
    return cluster_embedding

if __name__ == "__main__":
    import jax
    _d = setup_inputs()
    print(jax.jit(kernel)(*tuple(_d.values())))

</pallas_src>

<mosaic_0001>
#map = affine_map<(d0, d1) -> (0, 0)>
module attributes {stable_mosaic.version = 14 : i64} {
  func.func @gather_kernel(%arg0: i32, %arg1: i32, %arg2: memref<8192x128xf32, #tpu.memory_space<hbm>>, %arg3: memref<1x16384xi32, #tpu.memory_space<hbm>>, %arg4: memref<16384x128xf32, #tpu.memory_space<hbm>>) attributes {dimension_semantics = [#tpu.dimension_semantics<core_parallel>, #tpu.dimension_semantics<subcore_parallel>], iteration_bounds = array<i64: 2, 16>, scalar_prefetch = 0 : i64, scratch_operands = 0 : i64, tpu.core_type = #tpu.core_type<sc_vector_subcore>, window_params = [{transform_indices = #map}, {transform_indices = #map}, {transform_indices = #map}]} {
    %mul3A = arith.constant 8 : i32
    %mul3A_0 = arith.muli %arg1, %mul3A : i32
    "tpu.region"() ({
      %run_scoped3A = memref.alloca() : memref<2x1x128xi32, #tpu.memory_space<vmem>>
      %run_scoped3A_1 = tpu.sem_alloc : memref<2x!tpu.dma_semaphore, #tpu.memory_space<semaphore_mem>>
      %run_scoped3A_2 = memref.alloca() : memref<2x128x128xf32, #tpu.memory_space<vmem>>
      %run_scoped3A_3 = tpu.sem_alloc : memref<2x!tpu.dma_semaphore, #tpu.memory_space<semaphore_mem>>
      %add3A = arith.constant 0 : i32
      %add3A_4 = arith.addi %add3A, %mul3A_0 : i32
      %select_n3A = arith.constant true
      %select_n3A_5 = arith.constant 0 : i32
      %select_n3A_6 = arith.constant -1 : i32
      %select_n3A_7 = arith.select %select_n3A, %select_n3A_6, %select_n3A_5 : i32
      %eq3A = arith.constant -1 : i32
      %eq3A_8 = arith.cmpi eq, %select_n3A_7, %eq3A : i32
      %select_n3A_9 = arith.constant 7 : i32
      %select_n3A_10 = arith.select %eq3A_8, %select_n3A_9, %select_n3A_7 : i32
      %add3A_11 = arith.addi %select_n3A_10, %mul3A_0 : i32
      %select_n3A_12 = arith.constant true
      %select_n3A_13 = arith.constant 0 : i32
      %select_n3A_14 = arith.constant 1 : i32
      %select_n3A_15 = arith.select %select_n3A_12, %select_n3A_14, %select_n3A_13 : i32
      %eq3A_16 = arith.constant 8 : i32
      %eq3A_17 = arith.cmpi eq, %select_n3A_15, %eq3A_16 : i32
      %select_n3A_18 = arith.constant 0 : i32
      %select_n3A_19 = arith.select %eq3A_17, %select_n3A_18, %select_n3A_15 : i32
      %add3A_20 = arith.addi %select_n3A_19, %mul3A_0 : i32
      %add3A_21 = arith.constant 1 : i32
      %add3A_22 = arith.addi %select_n3A_19, %add3A_21 : i32
      %select_n3A_23 = arith.constant true
      %select_n3A_24 = arith.select %select_n3A_23, %add3A_22, %select_n3A_19 : i32
      %eq3A_25 = arith.constant 8 : i32
      %eq3A_26 = arith.cmpi eq, %select_n3A_24, %eq3A_25 : i32
      %select_n3A_27 = arith.constant 0 : i32
      %select_n3A_28 = arith.select %eq3A_26, %select_n3A_27, %select_n3A_24 : i32
      %add3A_29 = arith.addi %select_n3A_28, %mul3A_0 : i32
      "tpu.trace_start"() <{level = 10 : i32, message = "ep_initialize_0"}> : () -> ()
      %rem3A = arith.constant 0 : i32
      %rem3A_30 = arith.constant 2 : i32
      %rem3A_31 = arith.remui %rem3A, %rem3A_30 : i32
      %mul3A_32 = arith.constant 128 : i32
      %mul3A_33 = arith.muli %mul3A_32, %add3A_4 : i32
      %dma_start3A = arith.constant 0 : i32
      %dma_start3A_34 = arith.constant 0 : i32
      %dma_start3A_35 = tpu.memref_slice %run_scoped3A[%rem3A_31, %dma_start3A, %dma_start3A_34] : memref<2x1x128xi32, #tpu.memory_space<vmem>> -> memref<1x1x128xi32, #tpu.memory_space<vmem>>
      %dma_start3A_36 = tpu.memref_squeeze %dma_start3A_35 : memref<1x1x128xi32, #tpu.memory_space<vmem>> -> memref<1x128xi32, #tpu.memory_space<vmem>>
      %dma_start3A_37 = arith.constant 0 : i32
      %dma_start3A_38 = tpu.memref_slice %arg3[%dma_start3A_37, %mul3A_33] : memref<1x16384xi32, #tpu.memory_space<hbm>> -> memref<1x128xi32, #tpu.memory_space<hbm>>
      %dma_start3A_39 = tpu.memref_slice %run_scoped3A_1[%rem3A_31] : memref<2x!tpu.dma_semaphore, #tpu.memory_space<semaphore_mem>> -> memref<1x!tpu.dma_semaphore, #tpu.memory_space<semaphore_mem>>
      %dma_start3A_40 = tpu.memref_squeeze %dma_start3A_39 : memref<1x!tpu.dma_semaphore, #tpu.memory_space<semaphore_mem>> -> memref<!tpu.dma_semaphore, #tpu.memory_space<semaphore_mem>>
      %dma_start3A_41 = arith.constant 0 : i32
      %dma_start3A_42 = arith.constant 0 : i32
      %dma_start3A_43 = tpu.memref_slice %run_scoped3A[%rem3A_31, %dma_start3A_41, %dma_start3A_42] : memref<2x1x128xi32, #tpu.memory_space<vmem>> -> memref<1x1x128xi32, #tpu.memory_space<vmem>>
      %dma_start3A_44 = tpu.memref_squeeze %dma_start3A_43 : memref<1x1x128xi32, #tpu.memory_space<vmem>> -> memref<1x128xi32, #tpu.memory_space<vmem>>
      %dma_start3A_45 = arith.constant 0 : i32
      %dma_start3A_46 = tpu.memref_slice %arg3[%dma_start3A_45, %mul3A_33] : memref<1x16384xi32, #tpu.memory_space<hbm>> -> memref<1x128xi32, #tpu.memory_space<hbm>>
      tpu.enqueue_dma source(%dma_start3A_46 : memref<1x128xi32, #tpu.memory_space<hbm>>) target(%dma_start3A_44 : memref<1x128xi32, #tpu.memory_space<vmem>>) target_semaphore(%dma_start3A_40 : memref<!tpu.dma_semaphore, #tpu.memory_space<semaphore_mem>>)
      %add3A_47 = arith.constant 0 : i32
      %add3A_48 = arith.constant 1 : i32
      %add3A_49 = arith.addi %add3A_47, %add3A_48 : i32
      %select_n3A_50 = arith.constant true
      %select_n3A_51 = arith.constant 0 : i32
      %select_n3A_52 = arith.select %select_n3A_50, %add3A_49, %select_n3A_51 : i32
      "tpu.trace_stop"() : () -> ()
      %scan3A = arith.constant 0 : i32
      %scan3A_53 = arith.constant 0 : i32
      %scan3A_54 = arith.constant 0 : i32
      %scan3A_55 = arith.constant 0 : i32
      %scan3A_56 = arith.constant 0 : i32
      %scan3A_57 = arith.constant 8 : i32
      %scan3A_58 = arith.addi %scan3A_56, %scan3A_57 : i32
      %scan3A_59 = arith.constant 1 : i32
      %scan3A_60:5 = scf.for %scan3A_114 = %scan3A_56 to %scan3A_58 step %scan3A_59 iter_args(%scan3A_115 = %select_n3A_52, %scan3A_116 = %scan3A, %scan3A_117 = %scan3A_53, %scan3A_118 = %scan3A_54, %scan3A_119 = %scan3A_55) -> (i32, i32, i32, i32, i32)  : i32 {
        %eq3A_120 = arith.constant 0 : i32
        %eq3A_121 = arith.cmpi eq, %scan3A_114, %eq3A_120 : i32
        %eq3A_122 = arith.constant 7 : i32
        %eq3A_123 = arith.cmpi eq, %scan3A_114, %eq3A_122 : i32
        %add3A_124 = arith.addi %scan3A_119, %mul3A_0 : i32
        %sub3A_125 = arith.constant 1 : i32
        %sub3A_126 = arith.subi %scan3A_119, %sub3A_125 : i32
        %select_n3A_127 = arith.constant true
        %select_n3A_128 = arith.select %select_n3A_127, %sub3A_126, %scan3A_119 : i32
        %eq3A_129 = arith.constant -1 : i32
        %eq3A_130 = arith.cmpi eq, %select_n3A_128, %eq3A_129 : i32
        %select_n3A_131 = arith.constant 7 : i32
        %select_n3A_132 = arith.select %eq3A_130, %select_n3A_131, %select_n3A_128 : i32
        %add3A_133 = arith.addi %select_n3A_132, %mul3A_0 : i32
        %add3A_134 = arith.constant 1 : i32
        %add3A_135 = arith.addi %scan3A_119, %add3A_134 : i32
        %select_n3A_136 = arith.constant true
        %select_n3A_137 = arith.select %select_n3A_136, %add3A_135, %scan3A_119 : i32
        %eq3A_138 = arith.constant 8 : i32
        %eq3A_139 = arith.cmpi eq, %select_n3A_137, %eq3A_138 : i32
        %select_n3A_140 = arith.constant 0 : i32
        %select_n3A_141 = arith.select %eq3A_139, %select_n3A_140, %select_n3A_137 : i32
        %add3A_142 = arith.addi %select_n3A_141, %mul3A_0 : i32
        %add3A_143 = arith.constant 1 : i32
        %add3A_144 = arith.addi %select_n3A_141, %add3A_143 : i32
        %select_n3A_145 = arith.constant true
        %select_n3A_146 = arith.select %select_n3A_145, %add3A_144, %select_n3A_141 : i32
        %eq3A_147 = arith.constant 8 : i32
        %eq3A_148 = arith.cmpi eq, %select_n3A_146, %eq3A_147 : i32
        %select_n3A_149 = arith.constant 0 : i32
        %select_n3A_150 = arith.select %eq3A_148, %select_n3A_149, %select_n3A_146 : i32
        %add3A_151 = arith.addi %select_n3A_150, %mul3A_0 : i32
        %ne3A = arith.cmpi ne, %add3A_124, %add3A_142 : i32
        %or3A = arith.constant false
        %or3A_152 = arith.ori %or3A, %ne3A : i1
        %ge3A = arith.constant 7 : i32
        %ge3A_153 = arith.cmpi sge, %scan3A_114, %ge3A : i32
        %not3A = arith.constant true
        %not3A_154 = arith.xori %ge3A_153, %not3A : i1
        %and3A = arith.andi %or3A_152, %not3A_154 : i1
        %convert_element_type3A = arith.extui %and3A : i1 to i32
        %cond3A = arith.constant 0 : i32
        %cond3A_155 = arith.cmpi ne, %convert_element_type3A, %cond3A : i32
        scf.if %cond3A_155 {
          "tpu.trace_start"() <{level = 10 : i32, message = "ep_copy_in"}> : () -> ()
          %rem3A_257 = arith.constant 2 : i32
          %rem3A_258 = arith.remui %scan3A_115, %rem3A_257 : i32
          %mul3A_259 = arith.constant 128 : i32
          %mul3A_260 = arith.muli %mul3A_259, %add3A_142 : i32
          %dma_start3A_261 = arith.constant 0 : i32
          %dma_start3A_262 = arith.constant 0 : i32
          %dma_start3A_263 = tpu.memref_slice %run_scoped3A[%rem3A_258, %dma_start3A_261, %dma_start3A_262] : memref<2x1x128xi32, #tpu.memory_space<vmem>> -> memref<1x1x128xi32, #tpu.memory_space<vmem>>
          %dma_start3A_264 = tpu.memref_squeeze %dma_start3A_263 : memref<1x1x128xi32, #tpu.memory_space<vmem>> -> memref<1x128xi32, #tpu.memory_space<vmem>>
          %dma_start3A_265 = arith.constant 0 : i32
          %dma_start3A_266 = tpu.memref_slice %arg3[%dma_start3A_265, %mul3A_260] : memref<1x16384xi32, #tpu.memory_space<hbm>> -> memref<1x128xi32, #tpu.memory_space<hbm>>
          %dma_start3A_267 = tpu.memref_slice %run_scoped3A_1[%rem3A_258] : memref<2x!tpu.dma_semaphore, #tpu.memory_space<semaphore_mem>> -> memref<1x!tpu.dma_semaphore, #tpu.memory_space<semaphore_mem>>
          %dma_start3A_268 = tpu.memref_squeeze %dma_start3A_267 : memref<1x!tpu.dma_semaphore, #tpu.memory_space<semaphore_mem>> -> memref<!tpu.dma_semaphore, #tpu.memory_space<semaphore_mem>>
          %dma_start3A_269 = arith.constant 0 : i32
          %dma_start3A_270 = arith.constant 0 : i32
          %dma_start3A_271 = tpu.memref_slice %run_scoped3A[%rem3A_258, %dma_start3A_269, %dma_start3A_270] : memref<2x1x128xi32, #tpu.memory_space<vmem>> -> memref<1x1x128xi32, #tpu.memory_space<vmem>>
          %dma_start3A_272 = tpu.memref_squeeze %dma_start3A_271 : memref<1x1x128xi32, #tpu.memory_space<vmem>> -> memref<1x128xi32, #tpu.memory_space<vmem>>
          %dma_start3A_273 = arith.constant 0 : i32
          %dma_start3A_274 = tpu.memref_slice %arg3[%dma_start3A_273, %mul3A_260] : memref<1x16384xi32, #tpu.memory_space<hbm>> -> memref<1x128xi32, #tpu.memory_space<hbm>>
          tpu.enqueue_dma source(%dma_start3A_274 : memref<1x128xi32, #tpu.memory_space<hbm>>) target(%dma_start3A_272 : memref<1x128xi32, #tpu.memory_space<vmem>>) target_semaphore(%dma_start3A_268 : memref<!tpu.dma_semaphore, #tpu.memory_space<semaphore_mem>>)
          "tpu.trace_stop"() : () -> ()
        } else {
        }
        %and3A_156 = arith.constant true
        %and3A_157 = arith.andi %and3A, %and3A_156 : i1
        %add3A_158 = arith.constant 1 : i32
        %add3A_159 = arith.addi %scan3A_115, %add3A_158 : i32
        %select_n3A_160 = arith.select %and3A_157, %add3A_159, %scan3A_115 : i32
        %ne3A_161 = arith.cmpi ne, %add3A_124, %add3A_142 : i32
        %or3A_162 = arith.constant false
        %or3A_163 = arith.ori %or3A_162, %ne3A_161 : i1
        %or3A_164 = arith.constant false
        %or3A_165 = arith.ori %or3A_163, %or3A_164 : i1
        %ge3A_166 = arith.constant 7 : i32
        %ge3A_167 = arith.cmpi sge, %scan3A_114, %ge3A_166 : i32
        %not3A_168 = arith.constant true
        %not3A_169 = arith.xori %ge3A_167, %not3A_168 : i1
        %and3A_170 = arith.andi %or3A_165, %not3A_169 : i1
        %ne3A_171 = arith.cmpi ne, %add3A_124, %add3A_133 : i32
        %or3A_172 = arith.constant false
        %or3A_173 = arith.ori %or3A_172, %ne3A_171 : i1
        %or3A_174 = arith.ori %or3A_173, %eq3A_121 : i1
        %convert_element_type3A_175 = arith.extui %or3A_174 : i1 to i32
        %cond3A_176 = arith.constant 0 : i32
        %cond3A_177 = arith.cmpi ne, %convert_element_type3A_175, %cond3A_176 : i32
        scf.if %cond3A_177 {
          "tpu.trace_start"() <{level = 10 : i32, message = "ep_wait_in"}> : () -> ()
          %mul3A_257 = arith.constant 128 : i32
          %mul3A_258 = arith.muli %mul3A_257, %add3A_124 : i32
          %rem3A_259 = arith.constant 2 : i32
          %rem3A_260 = arith.remui %scan3A_116, %rem3A_259 : i32
          %dma_wait3A_261 = arith.constant 0 : i32
          %dma_wait3A_262 = arith.constant 0 : i32
          %dma_wait3A_263 = tpu.memref_slice %run_scoped3A[%rem3A_260, %dma_wait3A_261, %dma_wait3A_262] : memref<2x1x128xi32, #tpu.memory_space<vmem>> -> memref<1x1x128xi32, #tpu.memory_space<vmem>>
          %dma_wait3A_264 = tpu.memref_squeeze %dma_wait3A_263 : memref<1x1x128xi32, #tpu.memory_space<vmem>> -> memref<1x128xi32, #tpu.memory_space<vmem>>
          %dma_wait3A_265 = arith.constant 0 : i32
          %dma_wait3A_266 = tpu.memref_slice %arg3[%dma_wait3A_265, %mul3A_258] : memref<1x16384xi32, #tpu.memory_space<hbm>> -> memref<1x128xi32, #tpu.memory_space<hbm>>
          %dma_wait3A_267 = tpu.memref_slice %run_scoped3A_1[%rem3A_260] : memref<2x!tpu.dma_semaphore, #tpu.memory_space<semaphore_mem>> -> memref<1x!tpu.dma_semaphore, #tpu.memory_space<semaphore_mem>>
          %dma_wait3A_268 = tpu.memref_squeeze %dma_wait3A_267 : memref<1x!tpu.dma_semaphore, #tpu.memory_space<semaphore_mem>> -> memref<!tpu.dma_semaphore, #tpu.memory_space<semaphore_mem>>
          %dma_wait3A_269 = arith.constant 0 : i32
          %dma_wait3A_270 = arith.constant 0 : i32
          %dma_wait3A_271 = tpu.memref_slice %run_scoped3A[%rem3A_260, %dma_wait3A_269, %dma_wait3A_270] : memref<2x1x128xi32, #tpu.memory_space<vmem>> -> memref<1x1x128xi32, #tpu.memory_space<vmem>>
          %dma_wait3A_272 = tpu.memref_squeeze %dma_wait3A_271 : memref<1x1x128xi32, #tpu.memory_space<vmem>> -> memref<1x128xi32, #tpu.memory_space<vmem>>
          %dma_wait3A_273 = arith.constant 0 : i32
          %dma_wait3A_274 = tpu.memref_slice %arg3[%dma_wait3A_273, %mul3A_258] : memref<1x16384xi32, #tpu.memory_space<hbm>> -> memref<1x128xi32, #tpu.memory_space<hbm>>
          tpu.wait_dma2 semaphore(%dma_wait3A_268 : memref<!tpu.dma_semaphore, #tpu.memory_space<semaphore_mem>>) src(%dma_wait3A_274 : memref<1x128xi32, #tpu.memory_space<hbm>>) dst(%dma_wait3A_272 : memref<1x128xi32, #tpu.memory_space<vmem>>)
          "tpu.trace_stop"() : () -> ()
        } else {
        }
        %ne3A_178 = arith.cmpi ne, %add3A_124, %add3A_133 : i32
        %or3A_179 = arith.constant false
        %or3A_180 = arith.ori %or3A_179, %ne3A_178 : i1
        %or3A_181 = arith.constant false
        %or3A_182 = arith.ori %or3A_180, %or3A_181 : i1
        %or3A_183 = arith.ori %or3A_182, %eq3A_121 : i1
        %convert_element_type3A_184 = arith.extui %or3A_183 : i1 to i32
        %cond3A_185 = arith.constant 0 : i32
        %cond3A_186 = arith.cmpi ne, %convert_element_type3A_184, %cond3A_185 : i32
        scf.if %cond3A_186 {
        } else {
        }
        %rem3A_187 = arith.constant 2 : i32
        %rem3A_188 = arith.remui %scan3A_116, %rem3A_187 : i32
        %rem3A_189 = arith.constant 2 : i32
        %rem3A_190 = arith.remui %scan3A_117, %rem3A_189 : i32
        %run_scoped3A_191 = arith.constant 0 : i32
        "tpu.trace_start"() <{level = 10 : i32, message = "ep_run_kernel"}> : () -> ()
        "tpu.region"() ({
          %run_scoped3A_257 = tpu.sem_alloc : memref<!tpu.dma_semaphore, #tpu.memory_space<semaphore_mem>>
          %dma_start3A_258 = arith.constant 0 : i32
          %dma_start3A_259 = arith.constant 0 : i32
          %dma_start3A_260 = tpu.memref_slice %run_scoped3A_2[%rem3A_190, %dma_start3A_258, %dma_start3A_259] : memref<2x128x128xf32, #tpu.memory_space<vmem>> -> memref<1x128x128xf32, #tpu.memory_space<vmem>>
          %dma_start3A_261 = tpu.memref_squeeze %dma_start3A_260 : memref<1x128x128xf32, #tpu.memory_space<vmem>> -> memref<128x128xf32, #tpu.memory_space<vmem>>
          %dma_start3A_262 = arith.constant 0 : i32
          %dma_start3A_263 = arith.constant 0 : i32
          %dma_start3A_264 = tpu.memref_slice %run_scoped3A[%rem3A_188, %dma_start3A_262, %dma_start3A_263] : memref<2x1x128xi32, #tpu.memory_space<vmem>> -> memref<1x1x128xi32, #tpu.memory_space<vmem>>
          %dma_start3A_265 = tpu.memref_squeeze %dma_start3A_264 : memref<1x1x128xi32, #tpu.memory_space<vmem>> -> memref<1x128xi32, #tpu.memory_space<vmem>>
          %dma_start3A_266 = arith.constant 0 : i32
          %dma_start3A_267 = tpu.memref_slice %dma_start3A_265[%run_scoped3A_191, %dma_start3A_266] : memref<1x128xi32, #tpu.memory_space<vmem>> -> memref<1x128xi32, #tpu.memory_space<vmem>>
          %dma_start3A_268 = tpu.memref_squeeze %dma_start3A_267 : memref<1x128xi32, #tpu.memory_space<vmem>> -> memref<128xi32, #tpu.memory_space<vmem>>
          %dma_start3A_269 = arith.constant 0 : i32
          %dma_start3A_270 = arith.constant 0 : i32
          %dma_start3A_271 = tpu.memref_slice %arg2[%dma_start3A_269, %dma_start3A_270] : memref<8192x128xf32, #tpu.memory_space<hbm>> -> memref<8192x128xf32, #tpu.memory_space<hbm>>
          tpu.enqueue_indirect_dma source(%dma_start3A_271 : memref<8192x128xf32, #tpu.memory_space<hbm>>) target(%dma_start3A_261 : memref<128x128xf32, #tpu.memory_space<vmem>>) offsets(%dma_start3A_268 : memref<128xi32, #tpu.memory_space<vmem>>) semaphore(%run_scoped3A_257 : memref<!tpu.dma_semaphore, #tpu.memory_space<semaphore_mem>>)
          %dma_wait3A_272 = arith.constant 0 : i32
          %dma_wait3A_273 = arith.constant 0 : i32
          %dma_wait3A_274 = tpu.memref_slice %run_scoped3A_2[%rem3A_190, %dma_wait3A_272, %dma_wait3A_273] : memref<2x128x128xf32, #tpu.memory_space<vmem>> -> memref<1x128x128xf32, #tpu.memory_space<vmem>>
          %dma_wait3A_275 = tpu.memref_squeeze %dma_wait3A_274 : memref<1x128x128xf32, #tpu.memory_space<vmem>> -> memref<128x128xf32, #tpu.memory_space<vmem>>
          %dma_wait3A_276 = arith.constant 0 : i32
          %dma_wait3A_277 = arith.constant 0 : i32
          %dma_wait3A_278 = tpu.memref_slice %run_scoped3A[%rem3A_188, %dma_wait3A_276, %dma_wait3A_277] : memref<2x1x128xi32, #tpu.memory_space<vmem>> -> memref<1x1x128xi32, #tpu.memory_space<vmem>>
          %dma_wait3A_279 = tpu.memref_squeeze %dma_wait3A_278 : memref<1x1x128xi32, #tpu.memory_space<vmem>> -> memref<1x128xi32, #tpu.memory_space<vmem>>
          %dma_wait3A_280 = arith.constant 0 : i32
          %dma_wait3A_281 = tpu.memref_slice %dma_wait3A_279[%run_scoped3A_191, %dma_wait3A_280] : memref<1x128xi32, #tpu.memory_space<vmem>> -> memref<1x128xi32, #tpu.memory_space<vmem>>
          %dma_wait3A_282 = tpu.memref_squeeze %dma_wait3A_281 : memref<1x128xi32, #tpu.memory_space<vmem>> -> memref<128xi32, #tpu.memory_space<vmem>>
          %dma_wait3A_283 = arith.constant 0 : i32
          %dma_wait3A_284 = arith.constant 0 : i32
          %dma_wait3A_285 = tpu.memref_slice %arg2[%dma_wait3A_283, %dma_wait3A_284] : memref<8192x128xf32, #tpu.memory_space<hbm>> -> memref<8192x128xf32, #tpu.memory_space<hbm>>
          tpu.wait_indirect_dma semaphore(%run_scoped3A_257 : memref<!tpu.dma_semaphore, #tpu.memory_space<semaphore_mem>>) src(%dma_wait3A_285 : memref<8192x128xf32, #tpu.memory_space<hbm>>) dst(%dma_wait3A_275 : memref<128x128xf32, #tpu.memory_space<vmem>>)
          tpu.yield
        }) : () -> ()
        "tpu.trace_stop"() : () -> ()
        %ne3A_192 = arith.cmpi ne, %add3A_124, %add3A_142 : i32
        %or3A_193 = arith.constant false
        %or3A_194 = arith.ori %or3A_193, %ne3A_192 : i1
        %or3A_195 = arith.ori %or3A_194, %eq3A_123 : i1
        %convert_element_type3A_196 = arith.extui %or3A_195 : i1 to i32
        %cond3A_197 = arith.constant 0 : i32
        %cond3A_198 = arith.cmpi ne, %convert_element_type3A_196, %cond3A_197 : i32
        scf.if %cond3A_198 {
        } else {
        }
        %and3A_199 = arith.constant false
        %and3A_200 = arith.andi %or3A_195, %and3A_199 : i1
        %ne3A_201 = arith.cmpi ne, %add3A_124, %add3A_142 : i32
        %or3A_202 = arith.constant false
        %or3A_203 = arith.ori %or3A_202, %ne3A_201 : i1
        %or3A_204 = arith.constant false
        %or3A_205 = arith.ori %or3A_203, %or3A_204 : i1
        %or3A_206 = arith.ori %or3A_205, %eq3A_123 : i1
        %convert_element_type3A_207 = arith.extui %or3A_206 : i1 to i32
        %cond3A_208 = arith.constant 0 : i32
        %cond3A_209 = arith.cmpi ne, %convert_element_type3A_207, %cond3A_208 : i32
        scf.if %cond3A_209 {
          "tpu.trace_start"() <{level = 10 : i32, message = "ep_copy_out"}> : () -> ()
          %rem3A_257 = arith.constant 2 : i32
          %rem3A_258 = arith.remui %scan3A_117, %rem3A_257 : i32
          %mul3A_259 = arith.constant 128 : i32
          %mul3A_260 = arith.muli %mul3A_259, %add3A_124 : i32
          %dma_start3A_261 = arith.constant 0 : i32
          %dma_start3A_262 = arith.constant 0 : i32
          %dma_start3A_263 = tpu.memref_slice %run_scoped3A_2[%rem3A_258, %dma_start3A_261, %dma_start3A_262] : memref<2x128x128xf32, #tpu.memory_space<vmem>> -> memref<1x128x128xf32, #tpu.memory_space<vmem>>
          %dma_start3A_264 = tpu.memref_squeeze %dma_start3A_263 : memref<1x128x128xf32, #tpu.memory_space<vmem>> -> memref<128x128xf32, #tpu.memory_space<vmem>>
          %dma_start3A_265 = arith.constant 0 : i32
          %dma_start3A_266 = tpu.memref_slice %arg4[%mul3A_260, %dma_start3A_265] : memref<16384x128xf32, #tpu.memory_space<hbm>> -> memref<128x128xf32, #tpu.memory_space<hbm>>
          %dma_start3A_267 = tpu.memref_slice %run_scoped3A_3[%rem3A_258] : memref<2x!tpu.dma_semaphore, #tpu.memory_space<semaphore_mem>> -> memref<1x!tpu.dma_semaphore, #tpu.memory_space<semaphore_mem>>
          %dma_start3A_268 = tpu.memref_squeeze %dma_start3A_267 : memref<1x!tpu.dma_semaphore, #tpu.memory_space<semaphore_mem>> -> memref<!tpu.dma_semaphore, #tpu.memory_space<semaphore_mem>>
          %dma_start3A_269 = arith.constant 0 : i32
          %dma_start3A_270 = tpu.memref_slice %arg4[%mul3A_260, %dma_start3A_269] : memref<16384x128xf32, #tpu.memory_space<hbm>> -> memref<128x128xf32, #tpu.memory_space<hbm>>
          %dma_start3A_271 = arith.constant 0 : i32
          %dma_start3A_272 = arith.constant 0 : i32
          %dma_start3A_273 = tpu.memref_slice %run_scoped3A_2[%rem3A_258, %dma_start3A_271, %dma_start3A_272] : memref<2x128x128xf32, #tpu.memory_space<vmem>> -> memref<1x128x128xf32, #tpu.memory_space<vmem>>
          %dma_start3A_274 = tpu.memref_squeeze %dma_start3A_273 : memref<1x128x128xf32, #tpu.memory_space<vmem>> -> memref<128x128xf32, #tpu.memory_space<vmem>>
          tpu.enqueue_dma source(%dma_start3A_274 : memref<128x128xf32, #tpu.memory_space<vmem>>) target(%dma_start3A_270 : memref<128x128xf32, #tpu.memory_space<hbm>>) target_semaphore(%dma_start3A_268 : memref<!tpu.dma_semaphore, #tpu.memory_space<semaphore_mem>>)
          "tpu.trace_stop"() : () -> ()
        } else {
        }
        %and3A_210 = arith.constant true
        %and3A_211 = arith.andi %or3A_206, %and3A_210 : i1
        %add3A_212 = arith.constant 1 : i32
        %add3A_213 = arith.addi %scan3A_117, %add3A_212 : i32
        %select_n3A_214 = arith.select %and3A_211, %add3A_213, %scan3A_117 : i32
        %ne3A_215 = arith.cmpi ne, %add3A_124, %add3A_133 : i32
        %or3A_216 = arith.constant false
        %or3A_217 = arith.ori %or3A_216, %ne3A_215 : i1
        %not3A_218 = arith.constant true
        %not3A_219 = arith.xori %eq3A_121, %not3A_218 : i1
        %and3A_220 = arith.andi %or3A_217, %not3A_219 : i1
        %convert_element_type3A_221 = arith.extui %and3A_220 : i1 to i32
        %cond3A_222 = arith.constant 0 : i32
        %cond3A_223 = arith.cmpi ne, %convert_element_type3A_221, %cond3A_222 : i32
        scf.if %cond3A_223 {
        } else {
        }
        %and3A_224 = arith.constant false
        %and3A_225 = arith.andi %and3A_220, %and3A_224 : i1
        %ne3A_226 = arith.cmpi ne, %add3A_124, %add3A_133 : i32
        %or3A_227 = arith.constant false
        %or3A_228 = arith.ori %or3A_227, %ne3A_226 : i1
        %or3A_229 = arith.constant false
        %or3A_230 = arith.ori %or3A_228, %or3A_229 : i1
        %not3A_231 = arith.constant true
        %not3A_232 = arith.xori %eq3A_121, %not3A_231 : i1
        %and3A_233 = arith.andi %or3A_230, %not3A_232 : i1
        %convert_element_type3A_234 = arith.extui %and3A_233 : i1 to i32
        %cond3A_235 = arith.constant 0 : i32
        %cond3A_236 = arith.cmpi ne, %convert_element_type3A_234, %cond3A_235 : i32
        scf.if %cond3A_236 {
          "tpu.trace_start"() <{level = 10 : i32, message = "ep_wait_out"}> : () -> ()
          %rem3A_257 = arith.constant 2 : i32
          %rem3A_258 = arith.remui %scan3A_118, %rem3A_257 : i32
          %mul3A_259 = arith.constant 128 : i32
          %mul3A_260 = arith.muli %mul3A_259, %add3A_133 : i32
          %dma_wait3A_261 = arith.constant 0 : i32
          %dma_wait3A_262 = arith.constant 0 : i32
          %dma_wait3A_263 = tpu.memref_slice %run_scoped3A_2[%rem3A_258, %dma_wait3A_261, %dma_wait3A_262] : memref<2x128x128xf32, #tpu.memory_space<vmem>> -> memref<1x128x128xf32, #tpu.memory_space<vmem>>
          %dma_wait3A_264 = tpu.memref_squeeze %dma_wait3A_263 : memref<1x128x128xf32, #tpu.memory_space<vmem>> -> memref<128x128xf32, #tpu.memory_space<vmem>>
          %dma_wait3A_265 = arith.constant 0 : i32
          %dma_wait3A_266 = tpu.memref_slice %arg4[%mul3A_260, %dma_wait3A_265] : memref<16384x128xf32, #tpu.memory_space<hbm>> -> memref<128x128xf32, #tpu.memory_space<hbm>>
          %dma_wait3A_267 = tpu.memref_slice %run_scoped3A_3[%rem3A_258] : memref<2x!tpu.dma_semaphore, #tpu.memory_space<semaphore_mem>> -> memref<1x!tpu.dma_semaphore, #tpu.memory_space<semaphore_mem>>
          %dma_wait3A_268 = tpu.memref_squeeze %dma_wait3A_267 : memref<1x!tpu.dma_semaphore, #tpu.memory_space<semaphore_mem>> -> memref<!tpu.dma_semaphore, #tpu.memory_space<semaphore_mem>>
          %dma_wait3A_269 = arith.constant 0 : i32
          %dma_wait3A_270 = tpu.memref_slice %arg4[%mul3A_260, %dma_wait3A_269] : memref<16384x128xf32, #tpu.memory_space<hbm>> -> memref<128x128xf32, #tpu.memory_space<hbm>>
          %dma_wait3A_271 = arith.constant 0 : i32
          %dma_wait3A_272 = arith.constant 0 : i32
          %dma_wait3A_273 = tpu.memref_slice %run_scoped3A_2[%rem3A_258, %dma_wait3A_271, %dma_wait3A_272] : memref<2x128x128xf32, #tpu.memory_space<vmem>> -> memref<1x128x128xf32, #tpu.memory_space<vmem>>
          %dma_wait3A_274 = tpu.memref_squeeze %dma_wait3A_273 : memref<1x128x128xf32, #tpu.memory_space<vmem>> -> memref<128x128xf32, #tpu.memory_space<vmem>>
          tpu.wait_dma2 semaphore(%dma_wait3A_268 : memref<!tpu.dma_semaphore, #tpu.memory_space<semaphore_mem>>) src(%dma_wait3A_274 : memref<128x128xf32, #tpu.memory_space<vmem>>) dst(%dma_wait3A_270 : memref<128x128xf32, #tpu.memory_space<hbm>>)
          "tpu.trace_stop"() : () -> ()
        } else {
        }
        %and3A_237 = arith.constant true
        %and3A_238 = arith.andi %and3A_233, %and3A_237 : i1
        %add3A_239 = arith.constant 1 : i32
        %add3A_240 = arith.addi %scan3A_118, %add3A_239 : i32
        %select_n3A_241 = arith.select %and3A_238, %add3A_240, %scan3A_118 : i32
        %ne3A_242 = arith.cmpi ne, %add3A_124, %add3A_142 : i32
        %or3A_243 = arith.constant false
        %or3A_244 = arith.ori %or3A_243, %ne3A_242 : i1
        %or3A_245 = arith.ori %or3A_244, %eq3A_123 : i1
        %add3A_246 = arith.constant 1 : i32
        %add3A_247 = arith.addi %scan3A_116, %add3A_246 : i32
        %select_n3A_248 = arith.select %or3A_245, %add3A_247, %scan3A_116 : i32
        %add3A_249 = arith.constant 1 : i32
        %add3A_250 = arith.addi %scan3A_119, %add3A_249 : i32
        %select_n3A_251 = arith.constant true
        %select_n3A_252 = arith.select %select_n3A_251, %add3A_250, %scan3A_119 : i32
        %eq3A_253 = arith.constant 8 : i32
        %eq3A_254 = arith.cmpi eq, %select_n3A_252, %eq3A_253 : i32
        %select_n3A_255 = arith.constant 0 : i32
        %select_n3A_256 = arith.select %eq3A_254, %select_n3A_255, %select_n3A_252 : i32
        scf.yield %select_n3A_160, %select_n3A_248, %select_n3A_214, %select_n3A_241, %select_n3A_256 : i32, i32, i32, i32, i32
      }
      %scan3A_61 = arith.constant 8 : i32
      %sub3A = arith.constant 1 : i32
      %sub3A_62 = arith.subi %scan3A_60#4, %sub3A : i32
      %select_n3A_63 = arith.constant true
      %select_n3A_64 = arith.select %select_n3A_63, %sub3A_62, %scan3A_60#4 : i32
      %eq3A_65 = arith.constant -1 : i32
      %eq3A_66 = arith.cmpi eq, %select_n3A_64, %eq3A_65 : i32
      %select_n3A_67 = arith.constant 7 : i32
      %select_n3A_68 = arith.select %eq3A_66, %select_n3A_67, %select_n3A_64 : i32
      %add3A_69 = arith.addi %select_n3A_68, %mul3A_0 : i32
      %sub3A_70 = arith.constant 1 : i32
      %sub3A_71 = arith.subi %select_n3A_68, %sub3A_70 : i32
      %select_n3A_72 = arith.constant true
      %select_n3A_73 = arith.select %select_n3A_72, %sub3A_71, %select_n3A_68 : i32
      %eq3A_74 = arith.constant -1 : i32
      %eq3A_75 = arith.cmpi eq, %select_n3A_73, %eq3A_74 : i32
      %select_n3A_76 = arith.constant 7 : i32
      %select_n3A_77 = arith.select %eq3A_75, %select_n3A_76, %select_n3A_73 : i32
      %add3A_78 = arith.addi %select_n3A_77, %mul3A_0 : i32
      %add3A_79 = arith.constant 1 : i32
      %add3A_80 = arith.addi %select_n3A_68, %add3A_79 : i32
      %select_n3A_81 = arith.constant true
      %select_n3A_82 = arith.select %select_n3A_81, %add3A_80, %select_n3A_68 : i32
      %eq3A_83 = arith.constant 8 : i32
      %eq3A_84 = arith.cmpi eq, %select_n3A_82, %eq3A_83 : i32
      %select_n3A_85 = arith.constant 0 : i32
      %select_n3A_86 = arith.select %eq3A_84, %select_n3A_85, %select_n3A_82 : i32
      %add3A_87 = arith.addi %select_n3A_86, %mul3A_0 : i32
      %add3A_88 = arith.constant 1 : i32
      %add3A_89 = arith.addi %select_n3A_86, %add3A_88 : i32
      %select_n3A_90 = arith.constant true
      %select_n3A_91 = arith.select %select_n3A_90, %add3A_89, %select_n3A_86 : i32
      %eq3A_92 = arith.constant 8 : i32
      %eq3A_93 = arith.cmpi eq, %select_n3A_91, %eq3A_92 : i32
      %select_n3A_94 = arith.constant 0 : i32
      %select_n3A_95 = arith.select %eq3A_93, %select_n3A_94, %select_n3A_91 : i32
      %add3A_96 = arith.addi %select_n3A_95, %mul3A_0 : i32
      "tpu.trace_start"() <{level = 10 : i32, message = "ep_finalize"}> : () -> ()
      %rem3A_97 = arith.constant 2 : i32
      %rem3A_98 = arith.remui %scan3A_60#3, %rem3A_97 : i32
      %mul3A_99 = arith.constant 128 : i32
      %mul3A_100 = arith.muli %mul3A_99, %add3A_69 : i32
      %dma_wait3A = arith.constant 0 : i32
      %dma_wait3A_101 = arith.constant 0 : i32
      %dma_wait3A_102 = tpu.memref_slice %run_scoped3A_2[%rem3A_98, %dma_wait3A, %dma_wait3A_101] : memref<2x128x128xf32, #tpu.memory_space<vmem>> -> memref<1x128x128xf32, #tpu.memory_space<vmem>>
      %dma_wait3A_103 = tpu.memref_squeeze %dma_wait3A_102 : memref<1x128x128xf32, #tpu.memory_space<vmem>> -> memref<128x128xf32, #tpu.memory_space<vmem>>
      %dma_wait3A_104 = arith.constant 0 : i32
      %dma_wait3A_105 = tpu.memref_slice %arg4[%mul3A_100, %dma_wait3A_104] : memref<16384x128xf32, #tpu.memory_space<hbm>> -> memref<128x128xf32, #tpu.memory_space<hbm>>
      %dma_wait3A_106 = tpu.memref_slice %run_scoped3A_3[%rem3A_98] : memref<2x!tpu.dma_semaphore, #tpu.memory_space<semaphore_mem>> -> memref<1x!tpu.dma_semaphore, #tpu.memory_space<semaphore_mem>>
      %dma_wait3A_107 = tpu.memref_squeeze %dma_wait3A_106 : memref<1x!tpu.dma_semaphore, #tpu.memory_space<semaphore_mem>> -> memref<!tpu.dma_semaphore, #tpu.memory_space<semaphore_mem>>
      %dma_wait3A_108 = arith.constant 0 : i32
      %dma_wait3A_109 = tpu.memref_slice %arg4[%mul3A_100, %dma_wait3A_108] : memref<16384x128xf32, #tpu.memory_space<hbm>> -> memref<128x128xf32, #tpu.memory_space<hbm>>
      %dma_wait3A_110 = arith.constant 0 : i32
      %dma_wait3A_111 = arith.constant 0 : i32
      %dma_wait3A_112 = tpu.memref_slice %run_scoped3A_2[%rem3A_98, %dma_wait3A_110, %dma_wait3A_111] : memref<2x128x128xf32, #tpu.memory_space<vmem>> -> memref<1x128x128xf32, #tpu.memory_space<vmem>>
      %dma_wait3A_113 = tpu.memref_squeeze %dma_wait3A_112 : memref<1x128x128xf32, #tpu.memory_space<vmem>> -> memref<128x128xf32, #tpu.memory_space<vmem>>
      tpu.wait_dma2 semaphore(%dma_wait3A_107 : memref<!tpu.dma_semaphore, #tpu.memory_space<semaphore_mem>>) src(%dma_wait3A_113 : memref<128x128xf32, #tpu.memory_space<vmem>>) dst(%dma_wait3A_109 : memref<128x128xf32, #tpu.memory_space<hbm>>)
      "tpu.trace_stop"() : () -> ()
      tpu.yield
    }) : () -> ()
    return
  }
}

module attributes {stable_mosaic.version = 14 : i64} {
  func.func @_argmin_kernel(%arg0: i32, %arg1: memref<1024x64xf32, #tpu.memory_space<vmem>>, %arg2: memref<8192x64xf32, #tpu.memory_space<vmem>>, %arg3: memref<1024x1xf32, #tpu.memory_space<vmem>>, %arg4: memref<1x8192xf32, #tpu.memory_space<vmem>>, %arg5: memref<1x1x1024xi32, #tpu.memory_space<vmem>>) attributes {dimension_semantics = [#tpu.dimension_semantics<arbitrary>], iteration_bounds = array<i64: 16>, scalar_prefetch = 0 : i64, scratch_operands = 0 : i64, tpu.core_type = #tpu.core_type<tc>, window_params = [{transform_indices = @transform_0, window_bounds = array<i64: 1024, 64>}, {pipeline_mode = #tpu.pipeline_mode<synchronous>, transform_indices = @transform_1, window_bounds = array<i64: 8192, 64>}, {transform_indices = @transform_2, window_bounds = array<i64: 1024, 1>}, {pipeline_mode = #tpu.pipeline_mode<synchronous>, transform_indices = @transform_3, window_bounds = array<i64: 1, 8192>}, {transform_indices = @transform_4, window_bounds = array<i64: 1, 1, 1024>}]} {
    %get3A = arith.constant 0 : index
    %get3A_0 = arith.constant 0 : index
    %get3A_1 = vector.load %arg1[%get3A, %get3A_0] : memref<1024x64xf32, #tpu.memory_space<vmem>>, vector<1024x64xf32>
    %convert_element_type3A = arith.truncf %get3A_1 : vector<1024x64xf32> to vector<1024x64xbf16>
    %get3A_2 = arith.constant 0 : index
    %get3A_3 = arith.constant 0 : index
    %get3A_4 = vector.load %arg3[%get3A_2, %get3A_3] : memref<1024x1xf32, #tpu.memory_space<vmem>>, vector<1024x1xf32>
    %broadcast_in_dim3A = arith.constant 0x7F800000 : f32
    %broadcast_in_dim3A_5 = vector.broadcast %broadcast_in_dim3A : f32 to vector<1024x1xf32>
    %broadcast_in_dim3A_6 = arith.constant 0 : i32
    %broadcast_in_dim3A_7 = vector.broadcast %broadcast_in_dim3A_6 : i32 to vector<1024x1xi32>
    %get3A_8 = arith.constant 0 : index
    %get3A_9 = arith.constant 0 : index
    %get3A_10 = vector.load %arg2[%get3A_8, %get3A_9] : memref<8192x64xf32, #tpu.memory_space<vmem>>, vector<2048x64xf32>
    %convert_element_type3A_11 = arith.truncf %get3A_10 : vector<2048x64xf32> to vector<2048x64xbf16>
    %get3A_12 = arith.constant 0 : index
    %get3A_13 = arith.constant 0 : index
    %get3A_14 = vector.load %arg4[%get3A_12, %get3A_13] : memref<1x8192xf32, #tpu.memory_space<vmem>>, vector<1x2048xf32>
    %dot_general3A = arith.constant dense<0.000000e+00> : vector<1024x2048xf32>
    %dot_general3A_15 = tpu.matmul %convert_element_type3A, %convert_element_type3A_11, %dot_general3A {dimension_numbers = #tpu.dot_dimension_numbers<[1], [1], [0], [0], [0, 0, 1, 0], [], []>, transpose_lhs_hint = false} : vector<1024x64xbf16>, vector<2048x64xbf16>, vector<1024x2048xf32> -> vector<1024x2048xf32>
    %add3A = vector.broadcast %get3A_4 : vector<1024x1xf32> to vector<1024x2048xf32>
    %add3A_16 = vector.broadcast %get3A_14 : vector<1x2048xf32> to vector<1024x2048xf32>
    %add3A_17 = arith.addf %add3A, %add3A_16 : vector<1024x2048xf32>
    %mul3A = arith.constant 2.000000e+00 : f32
    %mul3A_18 = vector.broadcast %mul3A : f32 to vector<1024x2048xf32>
    %mul3A_19 = arith.mulf %mul3A_18, %dot_general3A_15 : vector<1024x2048xf32>
    %sub3A = arith.subf %add3A_17, %mul3A_19 : vector<1024x2048xf32>
    %max3A = arith.constant 0.000000e+00 : f32
    %max3A_20 = vector.broadcast %max3A : f32 to vector<1024x2048xf32>
    %max3A_21 = arith.maximumf %sub3A, %max3A_20 : vector<1024x2048xf32>
    %sqrt3A = math.sqrt %max3A_21 : vector<1024x2048xf32>
    %reduce_min3A = arith.constant dense<0x7F800000> : vector<1024xf32>
    %reduce_min3A_22 = vector.multi_reduction <minimumf>, %sqrt3A, %reduce_min3A [1] : vector<1024x2048xf32> to vector<1024xf32>
    %broadcast_in_dim3A_23 = vector.shape_cast %reduce_min3A_22 : vector<1024xf32> to vector<1024x1xf32>
    %iota3A = tpu.iota {dimensions = array<i32: 1>} : vector<1024x2048xi32>
    %add3A_24 = arith.constant 0 : i32
    %add3A_25 = vector.broadcast %add3A_24 : i32 to vector<1024x2048xi32>
    %add3A_26 = arith.addi %iota3A, %add3A_25 : vector<1024x2048xi32>
    %eq3A = vector.broadcast %broadcast_in_dim3A_23 : vector<1024x1xf32> to vector<1024x2048xf32>
    %eq3A_27 = arith.cmpf oeq, %sqrt3A, %eq3A : vector<1024x2048xf32>
    %jit3A = arith.constant 2147483647 : i32
    %broadcast_in_dim3A_28 = vector.broadcast %jit3A : i32 to vector<1024x2048xi32>
    %select_n3A = arith.select %eq3A_27, %add3A_26, %broadcast_in_dim3A_28 : vector<1024x2048xi1>, vector<1024x2048xi32>
    %reduce_min3A_29 = arith.constant dense<2147483647> : vector<1024xi32>
    %reduce_min3A_30 = vector.multi_reduction <minsi>, %select_n3A, %reduce_min3A_29 [1] : vector<1024x2048xi32> to vector<1024xi32>
    %broadcast_in_dim3A_31 = vector.shape_cast %reduce_min3A_30 : vector<1024xi32> to vector<1024x1xi32>
    %lt3A = arith.cmpf olt, %broadcast_in_dim3A_23, %broadcast_in_dim3A_5 : vector<1024x1xf32>
    %select_n3A_32 = arith.select %lt3A, %broadcast_in_dim3A_31, %broadcast_in_dim3A_7 : vector<1024x1xi1>, vector<1024x1xi32>
    %select_n3A_33 = arith.select %lt3A, %broadcast_in_dim3A_23, %broadcast_in_dim3A_5 : vector<1024x1xi1>, vector<1024x1xf32>
    %get3A_34 = arith.constant 2048 : index
    %get3A_35 = arith.constant 0 : index
    %get3A_36 = vector.load %arg2[%get3A_34, %get3A_35] : memref<8192x64xf32, #tpu.memory_space<vmem>>, vector<2048x64xf32>
    %convert_element_type3A_37 = arith.truncf %get3A_36 : vector<2048x64xf32> to vector<2048x64xbf16>
    %get3A_38 = arith.constant 0 : index
    %get3A_39 = arith.constant 2048 : index
    %get3A_40 = vector.load %arg4[%get3A_38, %get3A_39] : memref<1x8192xf32, #tpu.memory_space<vmem>>, vector<1x2048xf32>
    %dot_general3A_41 = arith.constant dense<0.000000e+00> : vector<1024x2048xf32>
    %dot_general3A_42 = tpu.matmul %convert_element_type3A, %convert_element_type3A_37, %dot_general3A_41 {dimension_numbers = #tpu.dot_dimension_numbers<[1], [1], [0], [0], [0, 0, 1, 0], [], []>, transpose_lhs_hint = false} : vector<1024x64xbf16>, vector<2048x64xbf16>, vector<1024x2048xf32> -> vector<1024x2048xf32>
    %add3A_43 = vector.broadcast %get3A_4 : vector<1024x1xf32> to vector<1024x2048xf32>
    %add3A_44 = vector.broadcast %get3A_40 : vector<1x2048xf32> to vector<1024x2048xf32>
    %add3A_45 = arith.addf %add3A_43, %add3A_44 : vector<1024x2048xf32>
    %mul3A_46 = arith.constant 2.000000e+00 : f32
    %mul3A_47 = vector.broadcast %mul3A_46 : f32 to vector<1024x2048xf32>
    %mul3A_48 = arith.mulf %mul3A_47, %dot_general3A_42 : vector<1024x2048xf32>
    %sub3A_49 = arith.subf %add3A_45, %mul3A_48 : vector<1024x2048xf32>
    %max3A_50 = arith.constant 0.000000e+00 : f32
    %max3A_51 = vector.broadcast %max3A_50 : f32 to vector<1024x2048xf32>
    %max3A_52 = arith.maximumf %sub3A_49, %max3A_51 : vector<1024x2048xf32>
    %sqrt3A_53 = math.sqrt %max3A_52 : vector<1024x2048xf32>
    %reduce_min3A_54 = arith.constant dense<0x7F800000> : vector<1024xf32>
    %reduce_min3A_55 = vector.multi_reduction <minimumf>, %sqrt3A_53, %reduce_min3A_54 [1] : vector<1024x2048xf32> to vector<1024xf32>
    %broadcast_in_dim3A_56 = vector.shape_cast %reduce_min3A_55 : vector<1024xf32> to vector<1024x1xf32>
    %iota3A_57 = tpu.iota {dimensions = array<i32: 1>} : vector<1024x2048xi32>
    %add3A_58 = arith.constant 2048 : i32
    %add3A_59 = vector.broadcast %add3A_58 : i32 to vector<1024x2048xi32>
    %add3A_60 = arith.addi %iota3A_57, %add3A_59 : vector<1024x2048xi32>
    %eq3A_61 = vector.broadcast %broadcast_in_dim3A_56 : vector<1024x1xf32> to vector<1024x2048xf32>
    %eq3A_62 = arith.cmpf oeq, %sqrt3A_53, %eq3A_61 : vector<1024x2048xf32>
    %jit3A_63 = arith.constant 2147483647 : i32
    %broadcast_in_dim3A_64 = vector.broadcast %jit3A_63 : i32 to vector<1024x2048xi32>
    %select_n3A_65 = arith.select %eq3A_62, %add3A_60, %broadcast_in_dim3A_64 : vector<1024x2048xi1>, vector<1024x2048xi32>
    %reduce_min3A_66 = arith.constant dense<2147483647> : vector<1024xi32>
    %reduce_min3A_67 = vector.multi_reduction <minsi>, %select_n3A_65, %reduce_min3A_66 [1] : vector<1024x2048xi32> to vector<1024xi32>
    %broadcast_in_dim3A_68 = vector.shape_cast %reduce_min3A_67 : vector<1024xi32> to vector<1024x1xi32>
    %lt3A_69 = arith.cmpf olt, %broadcast_in_dim3A_56, %select_n3A_33 : vector<1024x1xf32>
    %select_n3A_70 = arith.select %lt3A_69, %broadcast_in_dim3A_68, %select_n3A_32 : vector<1024x1xi1>, vector<1024x1xi32>
    %select_n3A_71 = arith.select %lt3A_69, %broadcast_in_dim3A_56, %select_n3A_33 : vector<1024x1xi1>, vector<1024x1xf32>
    %get3A_72 = arith.constant 4096 : index
    %get3A_73 = arith.constant 0 : index
    %get3A_74 = vector.load %arg2[%get3A_72, %get3A_73] : memref<8192x64xf32, #tpu.memory_space<vmem>>, vector<2048x64xf32>
    %convert_element_type3A_75 = arith.truncf %get3A_74 : vector<2048x64xf32> to vector<2048x64xbf16>
    %get3A_76 = arith.constant 0 : index
    %get3A_77 = arith.constant 4096 : index
    %get3A_78 = vector.load %arg4[%get3A_76, %get3A_77] : memref<1x8192xf32, #tpu.memory_space<vmem>>, vector<1x2048xf32>
    %dot_general3A_79 = arith.constant dense<0.000000e+00> : vector<1024x2048xf32>
    %dot_general3A_80 = tpu.matmul %convert_element_type3A, %convert_element_type3A_75, %dot_general3A_79 {dimension_numbers = #tpu.dot_dimension_numbers<[1], [1], [0], [0], [0, 0, 1, 0], [], []>, transpose_lhs_hint = false} : vector<1024x64xbf16>, vector<2048x64xbf16>, vector<1024x2048xf32> -> vector<1024x2048xf32>
    %add3A_81 = vector.broadcast %get3A_4 : vector<1024x1xf32> to vector<1024x2048xf32>
    %add3A_82 = vector.broadcast %get3A_78 : vector<1x2048xf32> to vector<1024x2048xf32>
    %add3A_83 = arith.addf %add3A_81, %add3A_82 : vector<1024x2048xf32>
    %mul3A_84 = arith.constant 2.000000e+00 : f32
    %mul3A_85 = vector.broadcast %mul3A_84 : f32 to vector<1024x2048xf32>
    %mul3A_86 = arith.mulf %mul3A_85, %dot_general3A_80 : vector<1024x2048xf32>
    %sub3A_87 = arith.subf %add3A_83, %mul3A_86 : vector<1024x2048xf32>
    %max3A_88 = arith.constant 0.000000e+00 : f32
    %max3A_89 = vector.broadcast %max3A_88 : f32 to vector<1024x2048xf32>
    %max3A_90 = arith.maximumf %sub3A_87, %max3A_89 : vector<1024x2048xf32>
    %sqrt3A_91 = math.sqrt %max3A_90 : vector<1024x2048xf32>
    %reduce_min3A_92 = arith.constant dense<0x7F800000> : vector<1024xf32>
    %reduce_min3A_93 = vector.multi_reduction <minimumf>, %sqrt3A_91, %reduce_min3A_92 [1] : vector<1024x2048xf32> to vector<1024xf32>
    %broadcast_in_dim3A_94 = vector.shape_cast %reduce_min3A_93 : vector<1024xf32> to vector<1024x1xf32>
    %iota3A_95 = tpu.iota {dimensions = array<i32: 1>} : vector<1024x2048xi32>
    %add3A_96 = arith.constant 4096 : i32
    %add3A_97 = vector.broadcast %add3A_96 : i32 to vector<1024x2048xi32>
    %add3A_98 = arith.addi %iota3A_95, %add3A_97 : vector<1024x2048xi32>
    %eq3A_99 = vector.broadcast %broadcast_in_dim3A_94 : vector<1024x1xf32> to vector<1024x2048xf32>
    %eq3A_100 = arith.cmpf oeq, %sqrt3A_91, %eq3A_99 : vector<1024x2048xf32>
    %jit3A_101 = arith.constant 2147483647 : i32
    %broadcast_in_dim3A_102 = vector.broadcast %jit3A_101 : i32 to vector<1024x2048xi32>
    %select_n3A_103 = arith.select %eq3A_100, %add3A_98, %broadcast_in_dim3A_102 : vector<1024x2048xi1>, vector<1024x2048xi32>
    %reduce_min3A_104 = arith.constant dense<2147483647> : vector<1024xi32>
    %reduce_min3A_105 = vector.multi_reduction <minsi>, %select_n3A_103, %reduce_min3A_104 [1] : vector<1024x2048xi32> to vector<1024xi32>
    %broadcast_in_dim3A_106 = vector.shape_cast %reduce_min3A_105 : vector<1024xi32> to vector<1024x1xi32>
    %lt3A_107 = arith.cmpf olt, %broadcast_in_dim3A_94, %select_n3A_71 : vector<1024x1xf32>
    %select_n3A_108 = arith.select %lt3A_107, %broadcast_in_dim3A_106, %select_n3A_70 : vector<1024x1xi1>, vector<1024x1xi32>
    %select_n3A_109 = arith.select %lt3A_107, %broadcast_in_dim3A_94, %select_n3A_71 : vector<1024x1xi1>, vector<1024x1xf32>
    %get3A_110 = arith.constant 6144 : index
    %get3A_111 = arith.constant 0 : index
    %get3A_112 = vector.load %arg2[%get3A_110, %get3A_111] : memref<8192x64xf32, #tpu.memory_space<vmem>>, vector<2048x64xf32>
    %convert_element_type3A_113 = arith.truncf %get3A_112 : vector<2048x64xf32> to vector<2048x64xbf16>
    %get3A_114 = arith.constant 0 : index
    %get3A_115 = arith.constant 6144 : index
    %get3A_116 = vector.load %arg4[%get3A_114, %get3A_115] : memref<1x8192xf32, #tpu.memory_space<vmem>>, vector<1x2048xf32>
    %dot_general3A_117 = arith.constant dense<0.000000e+00> : vector<1024x2048xf32>
    %dot_general3A_118 = tpu.matmul %convert_element_type3A, %convert_element_type3A_113, %dot_general3A_117 {dimension_numbers = #tpu.dot_dimension_numbers<[1], [1], [0], [0], [0, 0, 1, 0], [], []>, transpose_lhs_hint = false} : vector<1024x64xbf16>, vector<2048x64xbf16>, vector<1024x2048xf32> -> vector<1024x2048xf32>
    %add3A_119 = vector.broadcast %get3A_4 : vector<1024x1xf32> to vector<1024x2048xf32>
    %add3A_120 = vector.broadcast %get3A_116 : vector<1x2048xf32> to vector<1024x2048xf32>
    %add3A_121 = arith.addf %add3A_119, %add3A_120 : vector<1024x2048xf32>
    %mul3A_122 = arith.constant 2.000000e+00 : f32
    %mul3A_123 = vector.broadcast %mul3A_122 : f32 to vector<1024x2048xf32>
    %mul3A_124 = arith.mulf %mul3A_123, %dot_general3A_118 : vector<1024x2048xf32>
    %sub3A_125 = arith.subf %add3A_121, %mul3A_124 : vector<1024x2048xf32>
    %max3A_126 = arith.constant 0.000000e+00 : f32
    %max3A_127 = vector.broadcast %max3A_126 : f32 to vector<1024x2048xf32>
    %max3A_128 = arith.maximumf %sub3A_125, %max3A_127 : vector<1024x2048xf32>
    %sqrt3A_129 = math.sqrt %max3A_128 : vector<1024x2048xf32>
    %reduce_min3A_130 = arith.constant dense<0x7F800000> : vector<1024xf32>
    %reduce_min3A_131 = vector.multi_reduction <minimumf>, %sqrt3A_129, %reduce_min3A_130 [1] : vector<1024x2048xf32> to vector<1024xf32>
    %broadcast_in_dim3A_132 = vector.shape_cast %reduce_min3A_131 : vector<1024xf32> to vector<1024x1xf32>
    %iota3A_133 = tpu.iota {dimensions = array<i32: 1>} : vector<1024x2048xi32>
    %add3A_134 = arith.constant 6144 : i32
    %add3A_135 = vector.broadcast %add3A_134 : i32 to vector<1024x2048xi32>
    %add3A_136 = arith.addi %iota3A_133, %add3A_135 : vector<1024x2048xi32>
    %eq3A_137 = vector.broadcast %broadcast_in_dim3A_132 : vector<1024x1xf32> to vector<1024x2048xf32>
    %eq3A_138 = arith.cmpf oeq, %sqrt3A_129, %eq3A_137 : vector<1024x2048xf32>
    %jit3A_139 = arith.constant 2147483647 : i32
    %broadcast_in_dim3A_140 = vector.broadcast %jit3A_139 : i32 to vector<1024x2048xi32>
    %select_n3A_141 = arith.select %eq3A_138, %add3A_136, %broadcast_in_dim3A_140 : vector<1024x2048xi1>, vector<1024x2048xi32>
    %reduce_min3A_142 = arith.constant dense<2147483647> : vector<1024xi32>
    %reduce_min3A_143 = vector.multi_reduction <minsi>, %select_n3A_141, %reduce_min3A_142 [1] : vector<1024x2048xi32> to vector<1024xi32>
    %broadcast_in_dim3A_144 = vector.shape_cast %reduce_min3A_143 : vector<1024xi32> to vector<1024x1xi32>
    %lt3A_145 = arith.cmpf olt, %broadcast_in_dim3A_132, %select_n3A_109 : vector<1024x1xf32>
    %select_n3A_146 = arith.select %lt3A_145, %broadcast_in_dim3A_144, %select_n3A_108 : vector<1024x1xi1>, vector<1024x1xi32>
    %squeeze3A = vector.shape_cast %select_n3A_146 : vector<1024x1xi32> to vector<1024xi32>
    %swap3A = arith.constant 0 : index
    %swap3A_147 = arith.constant 0 : index
    %swap3A_148 = arith.constant 0 : index
    %swap3A_149 = vector.load %arg5[%swap3A, %swap3A_147, %swap3A_148] : memref<1x1x1024xi32, #tpu.memory_space<vmem>>, vector<1x1x1024xi32>
    %swap3A_150 = vector.shape_cast %swap3A_149 : vector<1x1x1024xi32> to vector<1024xi32>
    %swap3A_151 = vector.shape_cast %squeeze3A : vector<1024xi32> to vector<1x1x1024xi32>
    tpu.vector_store %arg5[%swap3A, %swap3A_147, %swap3A_148], %swap3A_151 {strides = array<i32>} : memref<1x1x1024xi32, #tpu.memory_space<vmem>>, vector<1x1x1024xi32>,
    return
  }
  func.func @transform_0(%arg0: i32) -> (i32, i32) {
    %c0_i32 = arith.constant 0 : i32
    %c0_i32_0 = arith.constant 0 : i32
    return %arg0, %c0_i32 : i32, i32
  }
  func.func @transform_1(%arg0: i32) -> (i32, i32) {
    %c0_i32 = arith.constant 0 : i32
    %c0_i32_0 = arith.constant 0 : i32
    %c0_i32_1 = arith.constant 0 : i32
    return %c0_i32, %c0_i32_0 : i32, i32
  }
  func.func @transform_2(%arg0: i32) -> (i32, i32) {
    %c0_i32 = arith.constant 0 : i32
    %c0_i32_0 = arith.constant 0 : i32
    return %arg0, %c0_i32 : i32, i32
  }
  func.func @transform_3(%arg0: i32) -> (i32, i32) {
    %c0_i32 = arith.constant 0 : i32
    %c0_i32_0 = arith.constant 0 : i32
    %c0_i32_1 = arith.constant 0 : i32
    return %c0_i32, %c0_i32_0 : i32, i32
  }
  func.func @transform_4(%arg0: i32) -> (i32, i32, i32) {
    %c0_i32 = arith.constant 0 : i32
    %c0_i32_0 = arith.constant 0 : i32
    %c0_i32_1 = arith.constant 0 : i32
    return %arg0, %c0_i32, %c0_i32_0 : i32, i32, i32
  }
}

</mosaic_0001>

<sc_bundles>
// kernel: kernel.4.cloned.1.call-start
scs
__scs_entry_jumppad:
0x0: {  	(pc) =	sbr.rel $0x88, $3  }
0x1: {  	(tag) =	ssettag $0x0;
	lr =	simm.s32 $0x1  }
0x2: {  	[smem:$0x3F9F] =	sst lr;
	_ =	strace $0xD0000000  }
0x3: {  	_ = 	snop  }
0x4: {  	_ = 	snop  }
0x5: {  	_ = 	snop  }
0x6: {  	_ = 	snop  }
0x7: {  	_ = 	snop  }
__scs_overlays_trampoline_lowered:
0x8: {  	[smem:$0x3FAE] =	sst s0  }
0x9: {  	[smem:$0x3FAF] =	sst s1  }
0xa: {  	[smem:$0x3FB0] =	sst s2  }
0xb: {  	[smem:$0x3FB1] =	sst s3  }
0xc: {  	[smem:$0x3FB2] =	sst s4  }
0xd: {  	[smem:$0x3FB3] =	sst s5  }
0xe: {  	[smem:$0x3FB4] =	sst s6  }
0xf: {  	[smem:$0x3FB5] =	sst s7  }
0x10: {  	[smem:$0x3FB6] =	sst s8  }
0x11: {  	[smem:$0x3FB7] =	sst s9;
	s0 =	simm.s32 @!p0 $0x0  }
0x12: {  	s1 =	sld [smem:$0x3F9D];
	s0 =	simm.s32 @p0 $0x1  }
0x13: {  	[smem:$0x3FB8] =	sst s0;
	s0 =	simm.s32 @!p1 $0x0  }
0x14: {  	s2 =	sld [smem:$0x3F9C];
	s0 =	simm.s32 @p1 $0x1  }
0x15: {  	[smem:$0x3FB9] =	sst s0;
	s0 =	simm.s32 @!p2 $0x0  }
0x16: {  	s3 =	sld [smem:$0x3FDB];
	s0 =	simm.s32 @p2 $0x1  }
0x17: {  	s4 =	simm.s32 $0x1BF5;
	[smem:$0x3FBB] =	sst s0  }
0x18: {  	s0 =	sld [smem:$0x3F9E];
	_ =	swait.ge [sflag:s4], $0x0  }
0x19: {  	s7 =	sld [smem:$0x3F9F]  }
0x1a: {  	s8 =	sadd.s32 $0xFFFFE003, lr  }
0x1b: {  	s9 =	sadd.s32 $0xFFFFFEF7, lr;
	s5 =	simm.s32 $0xFFFFFFFF;
	p2 =	slt.u32 s8, $0xFFFFF086  }
0x1c: {  	p1 =	slt.u32 s9, $0xF7A;
	s5 =	simm.s32 @!p2 $0x0  }
0x1d: {  	s5 =	simm.s32 @p1 $0x1;
	p0 =	seq.s32 s7, s2  }
0x1e: {  	s7 =	smul.u32 @!p0 $0xF7A, s2;
	p2 =	seq.s32 @!p0 s5, $0x0  }
0x1f: {  	s9 =	smul.u32 $0xF7A, s1;
	s8 =	simm.s32 @!p0 $0x1BF5;
	p2 =	por !p2, p0  }
0x20: {  	[sflag:s8] =	ssyncset.s32 @!p0 $0xFFFFF086;
	s6 =	sadd.s32 @!p0 s3, s7;
	s7 =	simm.s32 @!p0 $0x108  }
0x21: {  	s3 =	sadd.s32 s3, s9;
	s6 =	sadd.s32 @!p0 $0x88, s6;
	s7 =	simm.s32 @p2 $0x1082  }
0x22: {  	[simem:s7], [sflag:s8] =	dma.local @!p0 [hbm:s6], $0xF7A  }
0x23: {  	s9 =	sor.u32 $0xD0000000, s2;
	s6 =	simm.s32 $0x108;
	_ =	swait.ge @!p0 [sflag:s8], $0x0  }
0x24: {  	s3 =	sadd.s32 $0x88, s3;
	s6 =	simm.s32 @!p1 $0x1082;
	[sflag:s4] =	ssyncset.s32 $0xFFFFF086  }
0x25: {  	[simem:s6], [sflag:s4] =	dma.local [hbm:s3], $0xF7A  }
0x26: {  	[smem:$0x3F9F] =	sst s1;
	(tag) =	ssettag s2;
	_ =	strace s9  }
0x27: {  	s1 =	sld [smem:$0x3FAF]  }
0x28: {  	s2 =	sld [smem:$0x3FB0]  }
0x29: {  	s4 =	sld [smem:$0x3FB2]  }
0x2a: {  	p0 =	seq.s32 s5, $0x0;
	s5 =	sld [smem:$0x3FB3]  }
0x2b: {  	s6 =	sld [smem:$0x3FB4]  }
0x2c: {  	s7 =	sld [smem:$0x3FB5]  }
0x2d: {  	s3 =	simm.s32 $0x108;
	s8 =	sld [smem:$0x3FB6]  }
0x2e: {  	s3 =	simm.s32 @!p0 $0x1082;
	s9 =	sld [smem:$0x3FB7]  }
0x2f: {  	lr =	sadd.s32 s0, s3;
	s0 =	sld [smem:$0x3FAE]  }
0x30: {  	s3 =	sld [smem:$0x3FB1]  }
0x31: {  	[smem:$0x3FBA] =	sst s10  }
0x32: {  	s10 =	sld [smem:$0x3FB8];
	_ =	sdelay $0x3  }
0x33: {  	p0 =	seq.s32 s10, $0x1;
	s10 =	sld [smem:$0x3FBA];
	_ =	sdelay $0x3  }
0x34: {  	[smem:$0x3FBA] =	sst s10  }
0x35: {  	s10 =	sld [smem:$0x3FB9];
	_ =	sdelay $0x3  }
0x36: {  	p1 =	seq.s32 s10, $0x1;
	s10 =	sld [smem:$0x3FBA];
	_ =	sdelay $0x3  }
0x37: {  	[smem:$0x3FBA] =	sst s10  }
0x38: {  	s10 =	sld [smem:$0x3FBB]  }
0x39: {  	_ = 	snop;
	(pc) =	sbr.ind lr, $3  }
0x3a: {  	_ = 	snop  }
0x3b: {  	_ = 	snop  }
0x3c: {  	p2 =	seq.s32 s10, $0x1;
	s10 =	sld [smem:$0x3FBA]  }
0x3d: {  	_ =	shalt  }
0x3e: {  	_ =	shalt  }
0x3f: {  	_ =	shalt  }
0x40: {  	_ =	shalt  }
0x41: {  	_ =	shalt  }
0x42: {  	_ =	shalt  }
0x43: {  	_ =	shalt  }
0x44: {  	_ =	shalt  }
0x45: {  	_ =	shalt  }
0x46: {  	_ =	shalt  }
0x47: {  	_ =	shalt  }
0x48: {  	_ =	shalt  }
0x49: {  	_ =	shalt  }
0x4a: {  	_ =	shalt  }
0x4b: {  	_ =	shalt  }
0x4c: {  	_ =	shalt  }
0x4d: {  	_ =	shalt  }
0x4e: {  	_ =	shalt  }
0x4f: {  	_ =	shalt  }
0x50: {  	_ =	shalt  }
0x51: {  	_ =	shalt  }
0x52: {  	_ =	shalt  }
0x53: {  	_ =	shalt  }
0x54: {  	_ =	shalt  }
0x55: {  	_ =	shalt  }
0x56: {  	_ =	shalt  }
0x57: {  	_ =	shalt  }
0x58: {  	_ =	shalt  }
0x59: {  	_ =	shalt  }
0x5a: {  	_ =	shalt  }
0x5b: {  	_ =	shalt  }
0x5c: {  	_ =	shalt  }
0x5d: {  	_ =	shalt  }
0x5e: {  	_ =	shalt  }
0x5f: {  	_ =	shalt  }
0x60: {  	_ =	shalt  }
0x61: {  	_ =	shalt  }
0x62: {  	_ =	shalt  }
0x63: {  	_ =	shalt  }
0x64: {  	_ =	shalt  }
0x65: {  	_ =	shalt  }
0x66: {  	_ =	shalt  }
0x67: {  	_ =	shalt  }
0x68: {  	_ =	shalt  }
0x69: {  	_ =	shalt  }
0x6a: {  	_ =	shalt  }
0x6b: {  	_ =	shalt  }
0x6c: {  	_ =	shalt  }
0x6d: {  	_ =	shalt  }
0x6e: {  	_ =	shalt  }
0x6f: {  	_ =	shalt  }
0x70: {  	_ =	shalt  }
0x71: {  	_ =	shalt  }
0x72: {  	_ =	shalt  }
0x73: {  	_ =	shalt  }
0x74: {  	_ =	shalt  }
0x75: {  	_ =	shalt  }
0x76: {  	_ =	shalt  }
0x77: {  	_ =	shalt  }
0x78: {  	_ =	shalt  }
0x79: {  	_ =	shalt  }
0x7a: {  	_ =	shalt  }
0x7b: {  	_ =	shalt  }
0x7c: {  	_ =	shalt  }
0x7d: {  	_ =	shalt  }
0x7e: {  	_ =	shalt  }
0x7f: {  	_ =	shalt  }
0x80: {  	_ =	shalt  }
0x81: {  	_ =	shalt  }
0x82: {  	_ =	shalt  }
0x83: {  	_ =	shalt  }
0x84: {  	_ =	shalt  }
0x85: {  	_ =	shalt  }
0x86: {  	_ =	shalt  }
0x87: {  	_ =	shalt  }
.Lfunc_end0:
.L_simem_size_0:
called_computation_lowered:
.L_overlay_start_0:
0x88: {  	s2 =	sld [smem:$0x3FD9]  }
0x89: {  	s3 =	sld [smem:$0x3FFE];
	_ =	sdelay $0x1  }
0x8a: {  	s1 =	srdreg.scid  }
0x8b: {  	s0 =	sand.u32 $0x1, s1  }
0x8c: {  	s17 =	sshll.u32 s0, $0xA;
	s2 =	sadd.s32 s3, s2  }
0x8d: {  	s2 =	sadd.s32 s2, s17  }
0x8e: {  	[smem:$0x3FC6] =	sst s2  }
0x8f: {  	_ = 	snop  }
0x90: {  	s2 =	sld [smem:$0x3FD0];
	(tm) =	ssettm $0x1  }
0x91: {  	s18 =	sld [smem:$0x3FFB];
	_ =	sdelay $0x3  }
0x92: {  	_ =	strace s18  }
0x93: {  	s3 =	sld [smem:$0x3FFC];
	_ =	sdelay $0x3  }
0x94: {  	_ =	strace s3  }
0x95: {  	s3 =	sld [smem:$0x3FFD];
	_ =	sdelay $0x3  }
0x96: {  	_ =	strace s3  }
0x97: {  	_ =	strace $0x8FFFFFFF  }
0x98: {  	s19 =	sld [smem:$0x3FDB];
	_ =	sdelay $0x1  }
0x99: {  	s4 =	simm.s32 $_scs_section_size  }
0x9a: {  	s5 =	simm.s32 $_size__tile_overlayer_lowered;
	s6 =	simm.s32 $_tile_overlayer_lowered  }
0x9b: {  	s22 =	simm.s32 $0x1BFF;
	s21 =	sshll.u32 s6, $0x1;
	s3 =	sadd.s32 s4, s19  }
0x9c: {  	s7 =	simm.s32 $0x0;
	s20 =	sshll.u32 s5, $0x1;
	s5 =	sadd.s32 s21, s3  }
0x9d: {  	[timem:s7], [sflag:s22] =	dma.local [hbm:s5], s20  }
0x9e: {  	_ =	swait.ge [sflag:s22], s20  }
0x9f: {  	s4 =	ssub.s32 $0x0, s20;
	[sflag:s22] =	ssyncset.done $0x0  }
0xa0: {  	[sflag:s22] =	ssyncadd.s32 s4;
	_ =	sdelay $0x1  }
0xa1: {  	s23 =	simm.s32 $0x1B8B  }
0xa2: {  	_ =	swait.ge [sflag:s23], $0x1  }
0xa3: {  	[sflag:s23] =	ssyncset.done $0x0  }
0xa4: {  	s25 =	simm.s32 $0x1B8E;
	s24 =	sld [smem:$0x3FFE];
	[sflag:s23] =	ssyncadd.s32 $0xFFFFFFFF  }
0xa5: {  	s26 =	simm.s32 $execute0_lowered;
	[smem:$0x3FD2] =	sst s25  }
0xa6: {  	s5 =	sshll.u32 s26, $0x1;
	_ =	strace $0x80000046;
	[dreg:$0x1] =	wrdreg $0xFFFFFFFF  }
0xa7: {  	s28 =	simm.s32 $_size_execute0_lowered;
	s3 =	sadd.s32 s3, s5;
	[dreg:$0x0] =	wrdreg $0x0  }
0xa8: {  	s5 =	sshll.u32 s28, $0x1;
	[dreg:$0x2] =	wrdreg s3  }
0xa9: {  	[dreg:$0x3] =	wrdreg s5  }
0xaa: {  	[dreg:$0x4] =	wrdreg $0xC0  }
0xab: {  	_ =	task [dreg:s7], $0x5FFFF  }
0xac: {  	[dreg:$0x1] =	wrdreg $0xFFFFFFFF  }
0xad: {  	[dreg:$0x0] =	wrdreg $0x60  }
0xae: {  	[dreg:$0x2] =	wrdreg s2  }
0xaf: {  	[dreg:$0x3] =	wrdreg s24  }
0xb0: {  	[dreg:$0x4] =	wrdreg $0x9  }
0xb1: {  	_ =	task.clear_ibuf [dreg:s7], $0x5FFFF;
	_ =	strace $0x90000046  }
0xb2: {  	s29 =	simm.s32 $0x9;
	_ =	strace $0x8000004F  }
0xb3: {  	_ =	swait.ge [sflag:s29], $0x1  }
0xb4: {  	[sflag:s29] =	ssyncadd.s32 $0xFFFFFFFF  }
0xb5: {  	_ =	strace $0x9000004F  }
0xb6: {  	_ =	sfence  }
0xb7: {  	s30 =	sld [smem:$0x0];
	_ =	sdelay $0x2  }
0xb8: {  	s31 =	sshll.u32 s1, $0xD;
	s1 =	sshrl.u32 s1, $0x2  }
0xb9: {  	s3 =	sand.u32 $0x4000, s31;
	s1 =	sadd.s32 s1, s30  }
0xba: {  	s0 =	sor.u32 s3, s0;
	s1 =	sshll.u32 s1, $0x11  }
0xbb: {  	s0 =	sor.u32 s1, s0  }
0xbc: {  	s0 =	sadd.s32 $0x8F2B, s0  }
0xbd: {  	[sflag:s0] =	ssyncadd.remote.s32 $0x1  }
0xbe: {  	_ =	sfence.sel $0xFFFF  }
0xbf: {  	[dreg:$0x0] =	wrdreg $0xFFFFFFFF;
	(pc) =	sbr.abs _section_cstart, $3  }
0xc0: {  	[dreg:$0x1] =	wrdreg $0xFFFFFFFF  }
0xc1: {  	_ =	task.clear_ibuf [dreg:s7], $0x2FFFF;
	_ =	strace $0x9FFFFFFF  }
0xc2: {  	(tm) =	ssettm $0x7FFFFFFF  }
0xc3: {  	_ =	shalt  }
tec
execute0_lowered:
.L_overlay_start_1:
0x0: {  	(tag) =	ssettag $0x1  }
0x1: {  	s0 =	rddreg [dreg:$0x0]  }
0x2: {  	s1 =	rddreg [dreg:$0x1];
	s2 =	simm.s32 $0x0;
	s3 =	srdreg.scid  }
0x3: {  	s8 =	simm.s32 $0x80;
	s7 =	simm.s32 $0x1;
	[dreg:$0x3] =	wrdreg s0  }
0x4: {  	s9 =	simm.s32 $0x4;
	s10 =	simm.s32 $0x0;
	s0 =	rddreg [dreg:$0x2]  }
0x5: {  	[smem:$0x7FF] =	sst s2;
	s3 =	sand.u32 $0x1, s3;
	s5 =	sadd.s32 $0x800, s1  }
0x6: {  	_ =	strace $0x80000047;
	s4 =	ssub.s32 $0x2, s3;
	[dreg:$0x5] =	wrdreg s5  }
0x7: {  	s3 =	stileid.u32;
	[dreg:$0x4] =	wrdreg s8;
	s6 =	sshrl.u32 s4, $0x1  }
0x8: {  	s8 =	simm.s32 $0x5;
	s31 =	sshll.u32 s3, $0x7;
	s6 =	ssub.s32 s4, s6  }
0x9: {  	s4 =	sshll.u32 s3, $0x3;
	s5 =	sadd.s32 s1, s31;
	s6 =	smax.u32 s6, $0x1  }
.LBB2_1:
0xa: {  	_ =	strace $0x80000048;
	s11 =	simm.s32 $0x1;
	p0 =	por $0x0, $0x0  }
0xb: {  	[tilespmem:s2], [sflag:$0x1] =	stream.linear.gather [hbm4b:s5+s2], $0x80, $0x200038;
	[tilespmem:$0x8100] =	vst v63  }
0xc: {  	s11 =	simm.s32 @p0 $0x0  }
0xd: {  	p4 =	por $0x1, $0x1;
	s20 =	sand.u32 $0x1, s2;
	p1 =	sne.s32 s11, $0x0  }
0xe: {  	p2 =	por $0x1, $0x1;
	s18 =	simm.s32 $0x6;
	p0 =	por !p4, !p1  }
0xf: {  	s16 =	simm.s32 $0x0;
	p5 =	por $0x0, $0x0;
	p0 =	por !p0, !p0  }
0x10: {  	s23 =	sadd.s32 $0x0, s4;
	s30 =	sadd.s32 $0x1, s20;
	s12 =	sadd.s32 @p0 s4, s11  }
0x11: {  	_ =	strace $0x90000048;
	s13 =	sand.u32 @p0 $0x1, s7;
	s12 =	sshll.u32 @p0 s12, $0x4  }
0x12: {  	_ =	strace @p0 $0x80000049;
	s15 =	simm.s32 @p0 $0x0;
	s12 =	sand.u32 @p0 $0x1FFFFFF0, s12  }
0x13: {  	s14 =	sshll.u32 @p0 s13, $0x7;
	s13 =	sadd.s32 @p0 $0x1, s13;
	s12 =	sadd.s32 @p0 s1, s12  }
0x14: {  	[tilespmem:s14], [sflag:s13] =	stream.linear.gather @p0 [hbm4b:s12+s15], $0x80, $0x200038;
	[tilespmem:$0x8100] =	vst v63  }
0x15: {  	p3 =	por p2, p2;
	s21 =	sshll.u32 s20, $0xE;
	_ =	strace @p0 $0x90000049  }
0x16: {  	s16 =	sand.u32 $0x80, s16;
	p2 =	por p5, p5;
	_ =	strace $0x8000004A  }
0x17: {  	s17 =	sadd.s32 $0x1, s11;
	s22 =	sor.u32 $0x100, s21;
	_ =	swait.ge [sflag:s30], $0x80  }
0x18: {  	s21 =	simm.s32 $0x1;
	p6 =	por p1, p1;
	[sflag:s30] =	ssyncset.done $0x0  }
0x19: {  	p1 =	por p3, p3;
	p4 =	por $0x1, $0x1;
	[sflag:s30] =	ssyncadd.s32 $0xFFFFFF80  }
0x1a: {  	s12 =	simm.s32 $0x7;
	s15 =	sand.u32 @!p3 $0x1, s2;
	_ =	strace $0x9000004A  }
0x1b: {  	s13 =	simm.s32 $0x1;
	p3 =	seq.s32 s17, $0x8;
	_ =	strace $0x8000004B  }
0x1c: {  	s13 =	simm.s32 @!p0 $0x0;
	s17 =	simm.s32 @p3 $0x0;
	s19 =	rddreg [dreg:$0x4]  }
0x1d: {  	p0 =	por $0x0, $0x0;
	s14 =	sadd.s32 $0x1, s13;
	s31 =	rddreg [dreg:$0x3]  }
0x1e: {  	[tilespmem:s22], [sflag:$0x5] =	stream.indirect.gather [hbm4b:s31+s19], $0x80, s16, s19, $0x2000b8;
	[tilespmem:$0x8100] =	vst v63  }
0x1f: {  	p3 =	sne.s32 s11, s17;
	s21 =	simm.s32 @!p0 $0x0;
	_ =	swait.ge [sflag:s8], $0x4000  }
0x20: {  	p5 =	por !p4, !p3;
	p4 =	por $0x0, $0x0;
	[sflag:s8] =	ssyncset.done $0x0  }
0x21: {  	s13 =	simm.s32 $0x0;
	p6 =	por p4, p6;
	[sflag:s8] =	ssyncadd.s32 $0xFFFFC000  }
0x22: {  	s16 =	simm.s32 $0x0;
	s19 =	simm.s32 $0x0;
	_ =	strace $0x9000004B  }
.LBB2_2:
0x23: {  	_ =	strace @p6 $0x8000004C;
	s13 =	sadd.s32 s21, s13;
	s21 =	smov.u32 s12  }
0x24: {  	s12 =	smov.u32 s18;
	s18 =	sadd.s32 $0xFFFFFFFF, s18;
	p0 =	por p3, p3  }
0x25: {  	s28 =	sshll.u32 @p6 s23, $0xB;
	s20 =	sadd.s32 @p6 $0x3, s20;
	s24 =	simm.s32 @!p0 $0x0  }
0x26: {  	s25 =	rddreg [dreg:$0x5];
	s28 =	sand.u32 @p6 $0x1FFFF800, s28;
	s24 =	simm.s32 @p0 $0x1  }
0x27: {  	s25 =	sadd.s32 @p6 s25, s28;
	s28 =	simm.s32 @p6 $0x0;
	p0 =	sne.s32 s18, $0x0  }
0x28: {  	[hbm4b:s25+s28] =	stream.linear.scatter @p6 [tilespmem:s22], [sflag:s20], $0x4000, $0x200038;
	[tilespmem:$0x8100] =	vst v63  }
0x29: {  	s20 =	sadd.s32 @!p1 $0x3, s15;
	s15 =	simm.s32 @!p0 $0x0  }
0x2a: {  	s26 =	simm.s32 $0x1;
	[smem:$0x7FC] =	sst s24;
	s15 =	simm.s32 @p0 $0x1  }
0x2b: {  	s26 =	simm.s32 @!p6 $0x0;
	_ =	strace @p6 $0x9000004C;
	[smem:$0x7FD] =	sst s15  }
0x2c: {  	p5 =	por !p5, !p5;
	s19 =	sadd.s32 s26, s19;
	_ =	strace @!p1 $0x8000004D  }
0x2d: {  	s24 =	sand.u32 @!p2 $0x1, s13;
	s22 =	sand.u32 @p5 $0x1, s14;
	_ =	swait.ge @!p1 [sflag:s20], $0x4000  }
0x2e: {  	s15 =	smov.u32 s24;
	s24 =	sadd.s32 @p5 s4, s17;
	[sflag:s20] =	ssyncset.done @!p1 $0x0  }
0x2f: {  	s25 =	sshll.u32 @p5 s22, $0x7;
	s24 =	sshll.u32 @p5 s24, $0x4;
	[sflag:s20] =	ssyncadd.s32 @!p1 $0xFFFFC000  }
0x30: {  	s20 =	sadd.s32 @p5 $0x1, s22;
	s22 =	sand.u32 @p5 $0x1FFFFFF0, s24;
	_ =	strace @!p1 $0x9000004D  }
0x31: {  	s24 =	simm.s32 @p5 $0x0;
	s22 =	sadd.s32 @p5 s1, s22;
	_ =	strace @p5 $0x80000049  }
0x32: {  	[tilespmem:s25], [sflag:s20] =	stream.linear.gather @p5 [hbm4b:s22+s24], $0x80, $0x200038;
	[tilespmem:$0x8100] =	vst v63  }
0x33: {  	s16 =	sadd.s32 s26, s16;
	s26 =	sand.u32 $0x1, s19;
	_ =	strace @p5 $0x90000049  }
0x34: {  	s24 =	sadd.s32 $0x1, s26;
	_ =	strace $0x8000004A  }
0x35: {  	_ =	swait.ge [sflag:s24], $0x80  }
0x36: {  	[sflag:s24] =	ssyncset.done $0x0  }
0x37: {  	s20 =	simm.s32 $0x1;
	[sflag:s24] =	ssyncadd.s32 $0xFFFFFF80  }
0x38: {  	s20 =	simm.s32 @!p5 $0x0;
	_ =	strace $0x9000004A  }
0x39: {  	s14 =	sadd.s32 s20, s14;
	s20 =	sand.u32 $0x1, s16;
	_ =	strace $0x8000004B  }
0x3a: {  	s29 =	sshll.u32 s19, $0x7;
	s25 =	sshll.u32 s20, $0xE;
	s26 =	rddreg [dreg:$0x4]  }
0x3b: {  	s29 =	sand.u32 $0x80, s29;
	s22 =	sor.u32 $0x100, s25;
	s30 =	rddreg [dreg:$0x3]  }
0x3c: {  	[tilespmem:s22], [sflag:$0x5] =	stream.indirect.gather [hbm4b:s30+s26], $0x80, s29, s26, $0x2000b8;
	[tilespmem:$0x8100] =	vst v63  }
0x3d: {  	_ =	swait.ge [sflag:s8], $0x4000  }
0x3e: {  	s31 =	sadd.s32 $0x1, s17;
	[sflag:s8] =	ssyncset.done $0x0  }
0x3f: {  	s23 =	sadd.s32 s4, s11;
	s11 =	smov.u32 s17;
	[sflag:s8] =	ssyncadd.s32 $0xFFFFC000  }
0x40: {  	p3 =	seq.s32 s31, $0x8;
	s17 =	smov.u32 s31;
	_ =	strace $0x9000004B  }
0x41: {  	s17 =	simm.s32 @p3 $0x0;
	s31 =	sld [smem:$0x7FD]  }
0x42: {  	p6 =	sne.s32 s12, $0x1;
	p0 =	sne.s32 s21, $0x8;
	p3 =	sne.s32 s11, s17  }
0x43: {  	p5 =	por !p6, !p3;
	p6 =	seq.s32 s21, $0x1;
	s21 =	simm.s32 $0x1  }
0x44: {  	s21 =	simm.s32 @!p0 $0x0;
	p0 =	seq.s32 s31, $0x1  }
.Ltmp0:
0x45: {  	s30 =	sld [smem:$0x7FC];
	(pc) =	sbr.rel @p0 .LBB2_2-.Ltmp0, $4  }
0x46: {  	_ = 	snop  }
0x47: {  	p4 =	seq.s32 s12, $0x8  }
0x48: {  	p1 =	por p2, p2;
	p2 =	por p4, p4;
	p4 =	seq.s32 s30, $0x1  }
0x49: {  	p6 =	por p6, p4  }
0x4a: {  	_ =	strace @p6 $0x8000004C;
	s23 =	sshll.u32 @p6 s23, $0xB  }
0x4b: {  	s18 =	rddreg [dreg:$0x5];
	s23 =	sand.u32 @p6 $0x1FFFF800, s23  }
0x4c: {  	s20 =	sadd.s32 @p6 $0x3, s20;
	s18 =	sadd.s32 @p6 s18, s23;
	s23 =	simm.s32 @p6 $0x0  }
0x4d: {  	[hbm4b:s18+s23] =	stream.linear.scatter @p6 [tilespmem:s22], [sflag:s20], $0x4000, $0x200038;
	[tilespmem:$0x8100] =	vst v63  }
0x4e: {  	p0 =	por !p5, !p5;
	_ =	strace @p6 $0x9000004C  }
0x4f: {  	s15 =	sadd.s32 @!p1 $0x3, s15;
	s17 =	sadd.s32 @p0 s4, s17;
	_ =	strace @!p1 $0x8000004D  }
0x50: {  	s14 =	sand.u32 @p0 $0x1, s14;
	s17 =	sshll.u32 @p0 s17, $0x4;
	_ =	swait.ge @!p1 [sflag:s15], $0x4000  }
0x51: {  	s18 =	simm.s32 $0x1;
	s20 =	sshll.u32 @p0 s14, $0x7;
	[sflag:s15] =	ssyncset.done @!p1 $0x0  }
0x52: {  	s14 =	sadd.s32 @p0 $0x1, s14;
	s18 =	simm.s32 @!p6 $0x0;
	[sflag:s15] =	ssyncadd.s32 @!p1 $0xFFFFC000  }
0x53: {  	s19 =	sadd.s32 s18, s19;
	s15 =	sand.u32 @p0 $0x1FFFFFF0, s17;
	_ =	strace @!p1 $0x9000004D  }
0x54: {  	s17 =	simm.s32 @p0 $0x0;
	s15 =	sadd.s32 @p0 s1, s15;
	_ =	strace @p0 $0x80000049  }
0x55: {  	[tilespmem:s20], [sflag:s14] =	stream.linear.gather @p0 [hbm4b:s15+s17], $0x80, $0x200038;
	[tilespmem:$0x8100] =	vst v63  }
0x56: {  	s25 =	sand.u32 $0x1, s19;
	_ =	strace @p0 $0x90000049  }
0x57: {  	s14 =	sadd.s32 $0x1, s25;
	_ =	strace $0x8000004A  }
0x58: {  	_ =	swait.ge [sflag:s14], $0x80  }
0x59: {  	[sflag:s14] =	ssyncset.done $0x0  }
0x5a: {  	[sflag:s14] =	ssyncadd.s32 $0xFFFFFF80  }
0x5b: {  	s26 =	sadd.s32 s18, s16;
	_ =	strace $0x9000004A  }
0x5c: {  	s14 =	sand.u32 $0x1, s26;
	_ =	strace $0x8000004B  }
0x5d: {  	s30 =	sshll.u32 s19, $0x7;
	s31 =	sshll.u32 s14, $0xE;
	s28 =	rddreg [dreg:$0x4]  }
0x5e: {  	s17 =	sand.u32 $0x80, s30;
	s18 =	sor.u32 $0x100, s31;
	s29 =	rddreg [dreg:$0x3]  }
0x5f: {  	[tilespmem:s18], [sflag:$0x5] =	stream.indirect.gather [hbm4b:s29+s28], $0x80, s17, s28, $0x2000b8;
	[tilespmem:$0x8100] =	vst v63  }
0x60: {  	_ =	swait.ge [sflag:s8], $0x4000  }
0x61: {  	[sflag:s8] =	ssyncset.done $0x0  }
0x62: {  	p5 =	por p3, p3;
	p6 =	seq.s32 s12, $0x1;
	[sflag:s8] =	ssyncadd.s32 $0xFFFFC000  }
0x63: {  	s11 =	sadd.s32 s4, s11;
	p0 =	por p6, p5;
	_ =	strace $0x9000004B  }
0x64: {  	s11 =	sshll.u32 @p0 s11, $0xB;
	_ =	strace @p0 $0x8000004C  }
0x65: {  	s13 =	sadd.s32 s21, s13;
	s11 =	sand.u32 @p0 $0x1FFFF800, s11;
	s12 =	rddreg [dreg:$0x5]  }
0x66: {  	s14 =	sadd.s32 @p0 $0x3, s14;
	s11 =	sadd.s32 @p0 s12, s11;
	s12 =	simm.s32 @p0 $0x0  }
0x67: {  	[hbm4b:s11+s12] =	stream.linear.scatter @p0 [tilespmem:s18], [sflag:s14], $0x4000, $0x200038;
	[tilespmem:$0x8100] =	vst v63  }
0x68: {  	p1 =	por p2, p2;
	s11 =	sand.u32 @!p2 $0x1, s13;
	_ =	strace @p0 $0x9000004C  }
0x69: {  	s11 =	sadd.s32 @!p1 $0x3, s11;
	_ =	strace @!p1 $0x8000004D  }
0x6a: {  	_ =	swait.ge @!p1 [sflag:s11], $0x4000  }
0x6b: {  	[sflag:s11] =	ssyncset.done @!p1 $0x0  }
0x6c: {  	s10 =	sadd.s32 $0x1, s10;
	[sflag:s11] =	ssyncadd.s32 @!p1 $0xFFFFC000  }
0x6d: {  	p0 =	sne.s32 s10, s6;
	_ =	strace @!p1 $0x9000004D  }
.Ltmp1:
0x6e: {  	_ =	strace $0x8000004E;
	(pc) =	sbr.rel @p0 .LBB2_1-.Ltmp1, $4  }
0x6f: {  	_ =	swait.ge [sflag:s9], $0x4000  }
0x70: {  	[sflag:s9] =	ssyncset.done $0x0  }
0x71: {  	[sflag:s9] =	ssyncadd.s32 $0xFFFFC000  }
0x72: {  	_ =	strace $0x9000004E  }
0x73: {  	_ =	sfence.sel $0x180000  }
0x74: {  	[bflag:$0x0] =	sbarrier.arrive $0xFFFF  }
0x75: {  	p0 =	sne.s32 s3, $0x0;
	_ =	strace $0x90000047  }
0x76: {  	s0 =	sadd.s32 @!p0 $0x100000, s0;
	[bflag:$0x2] =	sbarrier.arrive $0xFFFF  }
0x77: {  	[sflag:s0] =	ssyncadd.tile.s32 @!p0 $0x1;
	_ =	shalt  }
.Lfunc_end2:
_tile_overlayer_lowered:
.L_overlay_start_2:
0x78: {  	(tag) =	ssettag $0x2  }
0x79: {  	s0 =	rddreg [dreg:$0x0];
	s2 =	stileid.u32  }
0x7a: {  	s1 =	rddreg [dreg:$0x1];
	p0 =	sne.s32 s2, $0x0  }
0x7b: {  	s3 =	rddreg [dreg:$0x2];
	[bflag:$0x3] =	sbarrier.arrive $0xFFFF;
	s2 =	simm.s32 @!p0 $0x1C01  }
0x7c: {  	[timem:s3], [sflag:s2] =	dma.local @!p0 [hbm:s0], s1  }
0x7d: {  	s0 =	simm.s32 @!p0 $0x1  }
0x7e: {  	_ =	swait.ge @!p0 [sflag:s0], s1  }
0x7f: {  	s1 =	ssub.s32 @!p0 $0x0, s1;
	[sflag:s0] =	ssyncset.done @!p0 $0x0  }
0x80: {  	[sflag:s0] =	ssyncadd.s32 @!p0 s1  }
0x81: {  	[bflag:$0x3] =	sbarrier.arrive $0xFFFF  }
0x82: {  	_ =	shalt  }

</sc_bundles>
